<compile_context>
chip_gen: v7x
topology: tpu7x:2x2x1
jax: 0.10.2.dev20260603
libtpu: 0.0.44.dev20260713+nightly
codegen_flags: <defaults>
</compile_context>

<pallas_src>
import jax
import jax.numpy as jnp
from jax.experimental import pallas as pl

_NUM_SAMPLED = 512
_FG_FRACTION = 0.25
_FG_IOU = 0.5
_TILE_N = 2048
_GT_PAD = 128


def _match_kernel(num_gt, boxes_ref, gt_ref, rand_ref, vals_ref, idx_ref,
                  score_ref):
    bt = boxes_ref[0]
    g = gt_ref[0]
    y1a = bt[0:1, :]
    x1a = bt[1:2, :]
    y2a = bt[2:3, :]
    x2a = bt[3:4, :]
    y1b = g[:, 0:1]
    x1b = g[:, 1:2]
    y2b = g[:, 2:3]
    x2b = g[:, 3:4]
    inter_h = jnp.maximum(jnp.minimum(y2a, y2b) - jnp.maximum(y1a, y1b), 0.0)
    inter_w = jnp.maximum(jnp.minimum(x2a, x2b) - jnp.maximum(x1a, x1b), 0.0)
    inter = inter_h * inter_w
    area1 = (y2a - y1a) * (x2a - x1a)
    area2 = (y2b - y1b) * (x2b - x1b)
    union = area1 + area2 - inter
    safe_union = jnp.where(union > 0.0, union, 1.0)
    sim = jnp.where(union > 0.0, inter / safe_union, 0.0)
    row = jax.lax.broadcasted_iota(jnp.int32, sim.shape, 0)
    sim = jnp.where(row < num_gt, sim, -1.0)
    vals = jnp.max(sim, axis=0, keepdims=True)
    hit = sim == vals
    idx = jnp.min(jnp.where(hit, row, _GT_PAD), axis=0, keepdims=True)
    vals_ref[0, 0] = vals
    idx_ref[0, 0] = idx
    rand = rand_ref[0, 0]
    score_ref[0, 0] = jnp.where(vals >= _FG_IOU, rand, -1.0)


def kernel(boxes, gt_boxes, gt_classes):
    gt_boxes = gt_boxes.astype(boxes.dtype)
    boxes = jnp.concatenate([boxes, gt_boxes], axis=1)
    B, N, _ = boxes.shape
    M = gt_boxes.shape[1]
    n_pad = ((N + _TILE_N - 1) // _TILE_N) * _TILE_N
    boxes_t = jnp.pad(jnp.swapaxes(boxes, 1, 2), ((0, 0), (0, 0), (0, n_pad - N)))
    gt_p = jnp.pad(gt_boxes, ((0, 0), (0, _GT_PAD - M), (0, 0)))
    rand = jax.random.uniform(jax.random.key(42), (B, N))
    rand_p = jnp.pad(rand, ((0, 0), (0, n_pad - N)))

    nt = n_pad // _TILE_N
    rand4 = rand_p.reshape(B, nt, 1, _TILE_N)
    grid = (B, nt)
    out_shape = [
        jax.ShapeDtypeStruct((B, nt, 1, _TILE_N), jnp.float32),
        jax.ShapeDtypeStruct((B, nt, 1, _TILE_N), jnp.int32),
        jax.ShapeDtypeStruct((B, nt, 1, _TILE_N), jnp.float32),
    ]
    vec_spec = pl.BlockSpec((1, 1, 1, _TILE_N), lambda b, t: (b, t, 0, 0))
    vals, midx, pos_score = pl.pallas_call(
        lambda *refs: _match_kernel(M, *refs),
        grid=grid,
        in_specs=[
            pl.BlockSpec((1, 4, _TILE_N), lambda b, t: (b, 0, t)),
            pl.BlockSpec((1, _GT_PAD, 4), lambda b, t: (b, 0, 0)),
            vec_spec,
        ],
        out_specs=[vec_spec, vec_spec, vec_spec],
        out_shape=out_shape,
    )(boxes_t, gt_p, rand4)

    vals = vals.reshape(B, n_pad)[:, :N]
    midx = midx.reshape(B, n_pad)[:, :N]
    pos_score = pos_score.reshape(B, n_pad)[:, :N]

    positive = vals >= _FG_IOU
    bg = jnp.logical_not(positive)

    nc_pos = 25
    nc_cmb = 5
    max_pos = int(_NUM_SAMPLED * _FG_FRACTION)
    ps_c = pos_score.reshape(B, nc_pos, N // nc_pos)
    pv, _ = jax.lax.top_k(ps_c, max_pos)
    top_vals, _ = jax.lax.top_k(pv.reshape(B, nc_pos * max_pos), max_pos)
    kth = top_vals[:, -1:]
    sampled_pos = positive & (pos_score >= jnp.maximum(kth, 0.0))
    combined = jnp.where(sampled_pos, rand + 2.0, jnp.where(bg, rand, -1.0))
    cb_c = combined.reshape(B, nc_cmb, N // nc_cmb)
    cv, ci = jax.lax.top_k(cb_c, _NUM_SAMPLED)
    base = (jnp.arange(nc_cmb, dtype=jnp.int32) * (N // nc_cmb))[None, :, None]
    gi = (ci + base).reshape(B, nc_cmb * _NUM_SAMPLED)
    _, pos_sel = jax.lax.top_k(cv.reshape(B, nc_cmb * _NUM_SAMPLED),
                               _NUM_SAMPLED)
    indices = jnp.take_along_axis(gi, pos_sel, axis=1)

    rois = jnp.take_along_axis(boxes, indices[..., None], axis=1)
    s_midx = jnp.take_along_axis(midx, indices, axis=1)
    s_bg = jnp.take_along_axis(bg, indices, axis=1)
    s_gt_boxes = jnp.take_along_axis(gt_boxes, s_midx[..., None], axis=1)
    s_gt_boxes = jnp.where(s_bg[..., None], 0.0, s_gt_boxes)
    s_gt_classes = jnp.take_along_axis(gt_classes, s_midx, axis=1)
    s_gt_classes = jnp.where(s_bg, 0, s_gt_classes)
    s_gt_indices = jnp.where(s_bg, -1, s_midx)
    return rois, s_gt_boxes, s_gt_classes, s_gt_indices

# --- scband reference (transcript-rebuilt; emitter-appended) ---
"""Pipeline reference for scband-ro-isampler-74036646249073 (READ-ONLY COPY).

The authoritative reference and input builder live on the scoring server;
editing this copy changes nothing except your own understanding.
"""

import jax, jax.numpy as jnp
import numpy as np

MIX_GT_BOXES = True
NUM_SAMPLED_ROIS = 512
FG_FRACTION = 0.25
FG_IOU = 0.5
BG_HIGH = 0.5
BG_LOW = 0.0


def _pairwise_iou(b1, b2):
    # b1: [B, N, 4], b2: [B, M, 4] in (ymin, xmin, ymax, xmax)
    y1a, x1a, y2a, x2a = b1[..., 0:1], b1[..., 1:2], b1[..., 2:3], b1[..., 3:4]  # [B,N,1]
    b2t = jnp.swapaxes(b2, 1, 2)  # [B,4,M]
    y1b, x1b, y2b, x2b = b2t[:, 0:1, :], b2t[:, 1:2, :], b2t[:, 2:3, :], b2t[:, 3:4, :]  # [B,1,M]
    inter_h = jnp.maximum(jnp.minimum(y2a, y2b) - jnp.maximum(y1a, y1b), 0.0)
    inter_w = jnp.maximum(jnp.minimum(x2a, x2b) - jnp.maximum(x1a, x1b), 0.0)
    inter = inter_h * inter_w
    area1 = (y2a - y1a) * (x2a - x1a)
    area2 = (y2b - y1b) * (x2b - x1b)
    union = area1 + area2 - inter
    safe_union = jnp.where(union > 0.0, union, 1.0)
    return jnp.where(union > 0.0, inter / safe_union, 0.0)


def _box_sampler(key, positive, negative, ignored, num_samples, fg_fraction):
    # Balanced positive/negative sampler (static shape), deterministic key.
    candidates = jnp.logical_and(jnp.logical_or(positive, negative), jnp.logical_not(ignored))
    rand = jax.random.uniform(key, positive.shape)
    max_pos = int(num_samples * fg_fraction)
    pos_cand = jnp.logical_and(positive, candidates)
    pos_score = jnp.where(pos_cand, rand, -1.0)
    top_vals, _ = jax.lax.top_k(pos_score, max_pos)
    kth = top_vals[:, -1:]
    sampled_pos = jnp.logical_and(pos_cand, pos_score >= jnp.maximum(kth, 0.0))
    neg_cand = jnp.logical_and(candidates, jnp.logical_not(positive))
    combined = jnp.where(sampled_pos, rand + 2.0, jnp.where(neg_cand, rand, -1.0))
    _, indices = jax.lax.top_k(combined, num_samples)
    return indices


def setup_inputs(seed: int = 0) -> dict:
    key = jax.random.key(seed)
    k1, k2, k3 = jax.random.split(key, 3)
    boxes = jax.random.uniform(k1, (8, 20000, 4), dtype=jnp.float32)
    gt_boxes = jax.random.uniform(k2, (8, 100, 4), dtype=jnp.float32)
    gt_classes = jax.random.randint(k3, (8, 100), 0, 91, dtype=jnp.int32)
    return {"boxes": boxes, "gt_boxes": gt_boxes, "gt_classes": gt_classes}


def reference(boxes, gt_boxes, gt_classes):
    gt_boxes = gt_boxes.astype(boxes.dtype)
    if MIX_GT_BOXES:
        boxes = jnp.concatenate([boxes, gt_boxes], axis=1)
    boxes_invalid = jnp.max(boxes, axis=-1, keepdims=True) < 0.0  # [B,N',1]
    gt_invalid = jnp.max(gt_boxes, axis=-1, keepdims=True) < 0.0  # [B,M,1]
    sim = _pairwise_iou(boxes, gt_boxes)  # [B,N',M]
    sim = jnp.where(boxes_invalid, -1.0, sim)
    sim = jnp.where(jnp.swapaxes(gt_invalid, 1, 2), -1.0, sim)
    # BoxMatcher with thresholds [0, 0.5, 0.5] -> indicators [-3, -1, -2, 1]
    matched_vals = jnp.max(sim, axis=-1)
    matched_gt_indices = jnp.argmax(sim, axis=-1).astype(jnp.int32)
    ind = jnp.ones_like(matched_gt_indices)
    ind = jnp.where(matched_vals < FG_IOU, -2, ind)
    ind = jnp.where(matched_vals < BG_HIGH, -1, ind)
    ind = jnp.where(matched_vals < BG_LOW, -3, ind)
    positive = ind >= 0
    negative = ind == -1
    ignored = ind == -2
    invalid = ind == -3
    background_mask = jnp.logical_or(negative, invalid)[..., None]  # [B,N',1]
    matched_gt_classes = jnp.take_along_axis(gt_classes[..., None], matched_gt_indices[..., None], axis=1)
    matched_gt_classes = jnp.where(background_mask, jnp.zeros_like(matched_gt_classes), matched_gt_classes)
    matched_gt_boxes = jnp.take_along_axis(gt_boxes, matched_gt_indices[..., None], axis=1)
    matched_gt_boxes = jnp.where(background_mask, jnp.zeros_like(matched_gt_boxes), matched_gt_boxes)
    matched_gt_indices = jnp.where(jnp.squeeze(background_mask, -1), -jnp.ones_like(matched_gt_indices), matched_gt_indices)
    skey = jax.random.key(42)
    indices = _box_sampler(skey, positive, negative, ignored, NUM_SAMPLED_ROIS, FG_FRACTION)  # [B,K]
    rois = jnp.take_along_axis(boxes, indices[..., None], axis=1)
    sampled_gt_boxes = jnp.take_along_axis(matched_gt_boxes, indices[..., None], axis=1)
    sampled_gt_classes = jnp.squeeze(jnp.take_along_axis(matched_gt_classes, indices[..., None], axis=1), -1)
    sampled_gt_indices = jnp.take_along_axis(matched_gt_indices, indices, axis=1)
    return rois, sampled_gt_boxes, sampled_gt_classes, sampled_gt_indices

if __name__ == "__main__":
    import jax
    _d = setup_inputs()
    print(jax.jit(kernel)(*tuple(_d.values())))

</pallas_src>

<mosaic_0001>
module attributes {stable_mosaic.version = 14 : i64} {
  func.func @_lambda_(%arg0: i32, %arg1: i32, %arg2: memref<1x4x2048xf32, #tpu.memory_space<vmem>>, %arg3: memref<1x128x4xf32, #tpu.memory_space<vmem>>, %arg4: memref<1x1x1x2048xf32, #tpu.memory_space<vmem>>, %arg5: memref<1x1x1x2048xf32, #tpu.memory_space<vmem>>, %arg6: memref<1x1x1x2048xi32, #tpu.memory_space<vmem>>, %arg7: memref<1x1x1x2048xf32, #tpu.memory_space<vmem>>) attributes {dimension_semantics = [#tpu.dimension_semantics<arbitrary>, #tpu.dimension_semantics<arbitrary>], iteration_bounds = array<i64: 8, 10>, scalar_prefetch = 0 : i64, scratch_operands = 0 : i64, tpu.core_type = #tpu.core_type<tc>, window_params = [{transform_indices = @transform_0, window_bounds = array<i64: 1, 4, 2048>}, {transform_indices = @transform_1, window_bounds = array<i64: 1, 128, 4>}, {transform_indices = @transform_2, window_bounds = array<i64: 1, 1, 1, 2048>}, {transform_indices = @transform_3, window_bounds = array<i64: 1, 1, 1, 2048>}, {transform_indices = @transform_4, window_bounds = array<i64: 1, 1, 1, 2048>}, {transform_indices = @transform_5, window_bounds = array<i64: 1, 1, 1, 2048>}]} {
    %get3A = arith.constant 0 : index
    %get3A_0 = arith.constant 0 : index
    %get3A_1 = arith.constant 0 : index
    %get3A_2 = vector.load %arg2[%get3A, %get3A_0, %get3A_1] : memref<1x4x2048xf32, #tpu.memory_space<vmem>>, vector<1x4x2048xf32>
    %get3A_3 = vector.shape_cast %get3A_2 : vector<1x4x2048xf32> to vector<4x2048xf32>
    %get3A_4 = arith.constant 0 : index
    %get3A_5 = arith.constant 0 : index
    %get3A_6 = arith.constant 0 : index
    %get3A_7 = vector.load %arg3[%get3A_4, %get3A_5, %get3A_6] : memref<1x128x4xf32, #tpu.memory_space<vmem>>, vector<1x128x4xf32>
    %get3A_8 = vector.shape_cast %get3A_7 : vector<1x128x4xf32> to vector<128x4xf32>
    %slice3A = vector.extract_strided_slice %get3A_3 {offsets = [0, 0], sizes = [1, 2048], strides = [1, 1]} : vector<4x2048xf32> to vector<1x2048xf32>
    %slice3A_9 = vector.extract_strided_slice %get3A_3 {offsets = [1, 0], sizes = [1, 2048], strides = [1, 1]} : vector<4x2048xf32> to vector<1x2048xf32>
    %slice3A_10 = vector.extract_strided_slice %get3A_3 {offsets = [2, 0], sizes = [1, 2048], strides = [1, 1]} : vector<4x2048xf32> to vector<1x2048xf32>
    %slice3A_11 = vector.extract_strided_slice %get3A_3 {offsets = [3, 0], sizes = [1, 2048], strides = [1, 1]} : vector<4x2048xf32> to vector<1x2048xf32>
    %slice3A_12 = vector.extract_strided_slice %get3A_8 {offsets = [0, 0], sizes = [128, 1], strides = [1, 1]} : vector<128x4xf32> to vector<128x1xf32>
    %slice3A_13 = vector.extract_strided_slice %get3A_8 {offsets = [0, 1], sizes = [128, 1], strides = [1, 1]} : vector<128x4xf32> to vector<128x1xf32>
    %slice3A_14 = vector.extract_strided_slice %get3A_8 {offsets = [0, 2], sizes = [128, 1], strides = [1, 1]} : vector<128x4xf32> to vector<128x1xf32>
    %slice3A_15 = vector.extract_strided_slice %get3A_8 {offsets = [0, 3], sizes = [128, 1], strides = [1, 1]} : vector<128x4xf32> to vector<128x1xf32>
    %min3A = vector.broadcast %slice3A_10 : vector<1x2048xf32> to vector<128x2048xf32>
    %min3A_16 = vector.broadcast %slice3A_14 : vector<128x1xf32> to vector<128x2048xf32>
    %min3A_17 = arith.minimumf %min3A, %min3A_16 : vector<128x2048xf32>
    %max3A = vector.broadcast %slice3A : vector<1x2048xf32> to vector<128x2048xf32>
    %max3A_18 = vector.broadcast %slice3A_12 : vector<128x1xf32> to vector<128x2048xf32>
    %max3A_19 = arith.maximumf %max3A, %max3A_18 : vector<128x2048xf32>
    %sub3A = arith.subf %min3A_17, %max3A_19 : vector<128x2048xf32>
    %max3A_20 = arith.constant 0.000000e+00 : f32
    %max3A_21 = vector.broadcast %max3A_20 : f32 to vector<128x2048xf32>
    %max3A_22 = arith.maximumf %sub3A, %max3A_21 : vector<128x2048xf32>
    %min3A_23 = vector.broadcast %slice3A_11 : vector<1x2048xf32> to vector<128x2048xf32>
    %min3A_24 = vector.broadcast %slice3A_15 : vector<128x1xf32> to vector<128x2048xf32>
    %min3A_25 = arith.minimumf %min3A_23, %min3A_24 : vector<128x2048xf32>
    %max3A_26 = vector.broadcast %slice3A_9 : vector<1x2048xf32> to vector<128x2048xf32>
    %max3A_27 = vector.broadcast %slice3A_13 : vector<128x1xf32> to vector<128x2048xf32>
    %max3A_28 = arith.maximumf %max3A_26, %max3A_27 : vector<128x2048xf32>
    %sub3A_29 = arith.subf %min3A_25, %max3A_28 : vector<128x2048xf32>
    %max3A_30 = arith.constant 0.000000e+00 : f32
    %max3A_31 = vector.broadcast %max3A_30 : f32 to vector<128x2048xf32>
    %max3A_32 = arith.maximumf %sub3A_29, %max3A_31 : vector<128x2048xf32>
    %mul3A = arith.mulf %max3A_22, %max3A_32 : vector<128x2048xf32>
    %sub3A_33 = arith.subf %slice3A_10, %slice3A : vector<1x2048xf32>
    %sub3A_34 = arith.subf %slice3A_11, %slice3A_9 : vector<1x2048xf32>
    %mul3A_35 = arith.mulf %sub3A_33, %sub3A_34 : vector<1x2048xf32>
    %sub3A_36 = arith.subf %slice3A_14, %slice3A_12 : vector<128x1xf32>
    %sub3A_37 = arith.subf %slice3A_15, %slice3A_13 : vector<128x1xf32>
    %mul3A_38 = arith.mulf %sub3A_36, %sub3A_37 : vector<128x1xf32>
    %add3A = vector.broadcast %mul3A_35 : vector<1x2048xf32> to vector<128x2048xf32>
    %add3A_39 = vector.broadcast %mul3A_38 : vector<128x1xf32> to vector<128x2048xf32>
    %add3A_40 = arith.addf %add3A, %add3A_39 : vector<128x2048xf32>
    %sub3A_41 = arith.subf %add3A_40, %mul3A : vector<128x2048xf32>
    %gt3A = arith.constant 0.000000e+00 : f32
    %gt3A_42 = vector.broadcast %gt3A : f32 to vector<128x2048xf32>
    %gt3A_43 = arith.cmpf ogt, %sub3A_41, %gt3A_42 : vector<128x2048xf32>
    %jit3A = arith.constant 1.000000e+00 : f32
    %broadcast_in_dim3A = vector.broadcast %jit3A : f32 to vector<128x2048xf32>
    %select_n3A = arith.select %gt3A_43, %sub3A_41, %broadcast_in_dim3A : vector<128x2048xi1>, vector<128x2048xf32>
    %gt3A_44 = arith.constant 0.000000e+00 : f32
    %gt3A_45 = vector.broadcast %gt3A_44 : f32 to vector<128x2048xf32>
    %gt3A_46 = arith.cmpf ogt, %sub3A_41, %gt3A_45 : vector<128x2048xf32>
    %div3A = arith.divf %mul3A, %select_n3A : vector<128x2048xf32>
    %jit3A_47 = arith.constant 0.000000e+00 : f32
    %broadcast_in_dim3A_48 = vector.broadcast %jit3A_47 : f32 to vector<128x2048xf32>
    %select_n3A_49 = arith.select %gt3A_46, %div3A, %broadcast_in_dim3A_48 : vector<128x2048xi1>, vector<128x2048xf32>
    %iota3A = tpu.iota {dimensions = array<i32: 0>} : vector<128x2048xi32>
    %lt3A = arith.constant 100 : i32
    %lt3A_50 = vector.broadcast %lt3A : i32 to vector<128x2048xi32>
    %lt3A_51 = arith.cmpi slt, %iota3A, %lt3A_50 : vector<128x2048xi32>
    %jit3A_52 = arith.constant -1.000000e+00 : f32
    %broadcast_in_dim3A_53 = vector.broadcast %jit3A_52 : f32 to vector<128x2048xf32>
    %select_n3A_54 = arith.select %lt3A_51, %select_n3A_49, %broadcast_in_dim3A_53 : vector<128x2048xi1>, vector<128x2048xf32>
    %reduce_max3A = arith.constant dense<0xFF800000> : vector<2048xf32>
    %reduce_max3A_55 = vector.multi_reduction <maximumf>, %select_n3A_54, %reduce_max3A [0] : vector<128x2048xf32> to vector<2048xf32>
    %broadcast_in_dim3A_56 = vector.shape_cast %reduce_max3A_55 : vector<2048xf32> to vector<1x2048xf32>
    %eq3A = vector.broadcast %broadcast_in_dim3A_56 : vector<1x2048xf32> to vector<128x2048xf32>
    %eq3A_57 = arith.cmpf oeq, %select_n3A_54, %eq3A : vector<128x2048xf32>
    %jit3A_58 = arith.constant 128 : i32
    %broadcast_in_dim3A_59 = vector.broadcast %jit3A_58 : i32 to vector<128x2048xi32>
    %select_n3A_60 = arith.select %eq3A_57, %iota3A, %broadcast_in_dim3A_59 : vector<128x2048xi1>, vector<128x2048xi32>
    %reduce_min3A = arith.constant dense<2147483647> : vector<2048xi32>
    %reduce_min3A_61 = vector.multi_reduction <minsi>, %select_n3A_60, %reduce_min3A [0] : vector<128x2048xi32> to vector<2048xi32>
    %broadcast_in_dim3A_62 = vector.shape_cast %reduce_min3A_61 : vector<2048xi32> to vector<1x2048xi32>
    %swap3A = arith.constant 0 : index
    %swap3A_63 = arith.constant 0 : index
    %swap3A_64 = arith.constant 0 : index
    %swap3A_65 = arith.constant 0 : index
    %swap3A_66 = vector.load %arg5[%swap3A, %swap3A_63, %swap3A_64, %swap3A_65] : memref<1x1x1x2048xf32, #tpu.memory_space<vmem>>, vector<1x1x1x2048xf32>
    %swap3A_67 = vector.shape_cast %swap3A_66 : vector<1x1x1x2048xf32> to vector<1x2048xf32>
    %swap3A_68 = vector.shape_cast %broadcast_in_dim3A_56 : vector<1x2048xf32> to vector<1x1x1x2048xf32>
    tpu.vector_store %arg5[%swap3A, %swap3A_63, %swap3A_64, %swap3A_65], %swap3A_68 {strides = array<i32>} : memref<1x1x1x2048xf32, #tpu.memory_space<vmem>>, vector<1x1x1x2048xf32>,
    %swap3A_69 = arith.constant 0 : index
    %swap3A_70 = arith.constant 0 : index
    %swap3A_71 = arith.constant 0 : index
    %swap3A_72 = arith.constant 0 : index
    %swap3A_73 = vector.load %arg6[%swap3A_69, %swap3A_70, %swap3A_71, %swap3A_72] : memref<1x1x1x2048xi32, #tpu.memory_space<vmem>>, vector<1x1x1x2048xi32>
    %swap3A_74 = vector.shape_cast %swap3A_73 : vector<1x1x1x2048xi32> to vector<1x2048xi32>
    %swap3A_75 = vector.shape_cast %broadcast_in_dim3A_62 : vector<1x2048xi32> to vector<1x1x1x2048xi32>
    tpu.vector_store %arg6[%swap3A_69, %swap3A_70, %swap3A_71, %swap3A_72], %swap3A_75 {strides = array<i32>} : memref<1x1x1x2048xi32, #tpu.memory_space<vmem>>, vector<1x1x1x2048xi32>,
    %get3A_76 = arith.constant 0 : index
    %get3A_77 = arith.constant 0 : index
    %get3A_78 = arith.constant 0 : index
    %get3A_79 = arith.constant 0 : index
    %get3A_80 = vector.load %arg4[%get3A_76, %get3A_77, %get3A_78, %get3A_79] : memref<1x1x1x2048xf32, #tpu.memory_space<vmem>>, vector<1x1x1x2048xf32>
    %get3A_81 = vector.shape_cast %get3A_80 : vector<1x1x1x2048xf32> to vector<1x2048xf32>
    %ge3A = arith.constant 5.000000e-01 : f32
    %ge3A_82 = vector.broadcast %ge3A : f32 to vector<1x2048xf32>
    %ge3A_83 = arith.cmpf oge, %broadcast_in_dim3A_56, %ge3A_82 : vector<1x2048xf32>
    %jit3A_84 = arith.constant -1.000000e+00 : f32
    %broadcast_in_dim3A_85 = vector.broadcast %jit3A_84 : f32 to vector<1x2048xf32>
    %select_n3A_86 = arith.select %ge3A_83, %get3A_81, %broadcast_in_dim3A_85 : vector<1x2048xi1>, vector<1x2048xf32>
    %swap3A_87 = arith.constant 0 : index
    %swap3A_88 = arith.constant 0 : index
    %swap3A_89 = arith.constant 0 : index
    %swap3A_90 = arith.constant 0 : index
    %swap3A_91 = vector.load %arg7[%swap3A_87, %swap3A_88, %swap3A_89, %swap3A_90] : memref<1x1x1x2048xf32, #tpu.memory_space<vmem>>, vector<1x1x1x2048xf32>
    %swap3A_92 = vector.shape_cast %swap3A_91 : vector<1x1x1x2048xf32> to vector<1x2048xf32>
    %swap3A_93 = vector.shape_cast %select_n3A_86 : vector<1x2048xf32> to vector<1x1x1x2048xf32>
    tpu.vector_store %arg7[%swap3A_87, %swap3A_88, %swap3A_89, %swap3A_90], %swap3A_93 {strides = array<i32>} : memref<1x1x1x2048xf32, #tpu.memory_space<vmem>>, vector<1x1x1x2048xf32>,
    return
  }
  func.func @transform_0(%arg0: i32, %arg1: i32) -> (i32, i32, i32) {
    %c0_i32 = arith.constant 0 : i32
    %c0_i32_0 = arith.constant 0 : i32
    return %arg0, %c0_i32, %arg1 : i32, i32, i32
  }
  func.func @transform_1(%arg0: i32, %arg1: i32) -> (i32, i32, i32) {
    %c0_i32 = arith.constant 0 : i32
    %c0_i32_0 = arith.constant 0 : i32
    %c0_i32_1 = arith.constant 0 : i32
    return %arg0, %c0_i32, %c0_i32_0 : i32, i32, i32
  }
  func.func @transform_2(%arg0: i32, %arg1: i32) -> (i32, i32, i32, i32) {
    %c0_i32 = arith.constant 0 : i32
    %c0_i32_0 = arith.constant 0 : i32
    %c0_i32_1 = arith.constant 0 : i32
    return %arg0, %arg1, %c0_i32, %c0_i32_0 : i32, i32, i32, i32
  }
  func.func @transform_3(%arg0: i32, %arg1: i32) -> (i32, i32, i32, i32) {
    %c0_i32 = arith.constant 0 : i32
    %c0_i32_0 = arith.constant 0 : i32
    %c0_i32_1 = arith.constant 0 : i32
    return %arg0, %arg1, %c0_i32, %c0_i32_0 : i32, i32, i32, i32
  }
  func.func @transform_4(%arg0: i32, %arg1: i32) -> (i32, i32, i32, i32) {
    %c0_i32 = arith.constant 0 : i32
    %c0_i32_0 = arith.constant 0 : i32
    %c0_i32_1 = arith.constant 0 : i32
    return %arg0, %arg1, %c0_i32, %c0_i32_0 : i32, i32, i32, i32
  }
  func.func @transform_5(%arg0: i32, %arg1: i32) -> (i32, i32, i32, i32) {
    %c0_i32 = arith.constant 0 : i32
    %c0_i32_0 = arith.constant 0 : i32
    %c0_i32_1 = arith.constant 0 : i32
    return %arg0, %arg1, %c0_i32, %c0_i32_0 : i32, i32, i32, i32
  }
}

</mosaic_0001>

<sc_bundles>
// kernel: gather_offload_async_start.1
scs
__scs_entry_jumppad:
0x0: {  	(pc) =	sbr.rel $0x88, $3  }
0x1: {  	(tag) =	ssettag $0x0;
	lr =	simm.s32 $0x1  }
0x2: {  	[smem:$0x3F9E] =	sst lr;
	_ =	strace $0xD0000000  }
0x3: {  	_ = 	snop  }
0x4: {  	_ = 	snop  }
0x5: {  	_ = 	snop  }
0x6: {  	_ = 	snop  }
0x7: {  	_ = 	snop  }
__scs_overlays_trampoline_lowered:
0x8: {  	[smem:$0x3FAD] =	sst s0  }
0x9: {  	[smem:$0x3FAE] =	sst s1  }
0xa: {  	[smem:$0x3FAF] =	sst s2  }
0xb: {  	[smem:$0x3FB0] =	sst s3  }
0xc: {  	[smem:$0x3FB1] =	sst s4  }
0xd: {  	[smem:$0x3FB2] =	sst s5  }
0xe: {  	[smem:$0x3FB3] =	sst s6  }
0xf: {  	[smem:$0x3FB4] =	sst s7  }
0x10: {  	[smem:$0x3FB5] =	sst s8  }
0x11: {  	[smem:$0x3FB6] =	sst s9;
	s0 =	simm.s32 @!p0 $0x0  }
0x12: {  	s1 =	sld [smem:$0x3F9C];
	s0 =	simm.s32 @p0 $0x1  }
0x13: {  	[smem:$0x3FB7] =	sst s0;
	s0 =	simm.s32 @!p1 $0x0  }
0x14: {  	s2 =	sld [smem:$0x3F9B];
	s0 =	simm.s32 @p1 $0x1  }
0x15: {  	[smem:$0x3FB8] =	sst s0;
	s0 =	simm.s32 @!p2 $0x0  }
0x16: {  	s3 =	sld [smem:$0x3FDB];
	s0 =	simm.s32 @p2 $0x1  }
0x17: {  	s4 =	simm.s32 $0x1BF5;
	[smem:$0x3FBA] =	sst s0  }
0x18: {  	s0 =	sld [smem:$0x3F9D];
	_ =	swait.ge [sflag:s4], $0x0  }
0x19: {  	s7 =	sld [smem:$0x3F9E]  }
0x1a: {  	s8 =	sadd.s32 $0xFFFFE003, lr  }
0x1b: {  	s9 =	sadd.s32 $0xFFFFFEF7, lr;
	s5 =	simm.s32 $0xFFFFFFFF;
	p2 =	slt.u32 s8, $0xFFFFF086  }
0x1c: {  	p1 =	slt.u32 s9, $0xF7A;
	s5 =	simm.s32 @!p2 $0x0  }
0x1d: {  	s5 =	simm.s32 @p1 $0x1;
	p0 =	seq.s32 s7, s2  }
0x1e: {  	s7 =	smul.u32 @!p0 $0xF7A, s2;
	p2 =	seq.s32 @!p0 s5, $0x0  }
0x1f: {  	s9 =	smul.u32 $0xF7A, s1;
	s8 =	simm.s32 @!p0 $0x1BF5;
	p2 =	por !p2, p0  }
0x20: {  	[sflag:s8] =	ssyncset.s32 @!p0 $0xFFFFF086;
	s6 =	sadd.s32 @!p0 s3, s7;
	s7 =	simm.s32 @!p0 $0x108  }
0x21: {  	s3 =	sadd.s32 s3, s9;
	s6 =	sadd.s32 @!p0 $0x88, s6;
	s7 =	simm.s32 @p2 $0x1082  }
0x22: {  	[simem:s7], [sflag:s8] =	dma.local @!p0 [hbm:s6], $0xF7A  }
0x23: {  	s9 =	sor.u32 $0xD0000000, s2;
	s6 =	simm.s32 $0x108;
	_ =	swait.ge @!p0 [sflag:s8], $0x0  }
0x24: {  	s3 =	sadd.s32 $0x88, s3;
	s6 =	simm.s32 @!p1 $0x1082;
	[sflag:s4] =	ssyncset.s32 $0xFFFFF086  }
0x25: {  	[simem:s6], [sflag:s4] =	dma.local [hbm:s3], $0xF7A  }
0x26: {  	[smem:$0x3F9E] =	sst s1;
	(tag) =	ssettag s2;
	_ =	strace s9  }
0x27: {  	s1 =	sld [smem:$0x3FAE]  }
0x28: {  	s2 =	sld [smem:$0x3FAF]  }
0x29: {  	s4 =	sld [smem:$0x3FB1]  }
0x2a: {  	p0 =	seq.s32 s5, $0x0;
	s5 =	sld [smem:$0x3FB2]  }
0x2b: {  	s6 =	sld [smem:$0x3FB3]  }
0x2c: {  	s7 =	sld [smem:$0x3FB4]  }
0x2d: {  	s3 =	simm.s32 $0x108;
	s8 =	sld [smem:$0x3FB5]  }
0x2e: {  	s3 =	simm.s32 @!p0 $0x1082;
	s9 =	sld [smem:$0x3FB6]  }
0x2f: {  	lr =	sadd.s32 s0, s3;
	s0 =	sld [smem:$0x3FAD]  }
0x30: {  	s3 =	sld [smem:$0x3FB0]  }
0x31: {  	[smem:$0x3FB9] =	sst s10  }
0x32: {  	s10 =	sld [smem:$0x3FB7];
	_ =	sdelay $0x3  }
0x33: {  	p0 =	seq.s32 s10, $0x1;
	s10 =	sld [smem:$0x3FB9];
	_ =	sdelay $0x3  }
0x34: {  	[smem:$0x3FB9] =	sst s10  }
0x35: {  	s10 =	sld [smem:$0x3FB8];
	_ =	sdelay $0x3  }
0x36: {  	p1 =	seq.s32 s10, $0x1;
	s10 =	sld [smem:$0x3FB9];
	_ =	sdelay $0x3  }
0x37: {  	[smem:$0x3FB9] =	sst s10  }
0x38: {  	s10 =	sld [smem:$0x3FBA]  }
0x39: {  	_ = 	snop;
	(pc) =	sbr.ind lr, $3  }
0x3a: {  	_ = 	snop  }
0x3b: {  	_ = 	snop  }
0x3c: {  	p2 =	seq.s32 s10, $0x1;
	s10 =	sld [smem:$0x3FB9]  }
0x3d: {  	_ =	shalt  }
0x3e: {  	_ =	shalt  }
0x3f: {  	_ =	shalt  }
0x40: {  	_ =	shalt  }
0x41: {  	_ =	shalt  }
0x42: {  	_ =	shalt  }
0x43: {  	_ =	shalt  }
0x44: {  	_ =	shalt  }
0x45: {  	_ =	shalt  }
0x46: {  	_ =	shalt  }
0x47: {  	_ =	shalt  }
0x48: {  	_ =	shalt  }
0x49: {  	_ =	shalt  }
0x4a: {  	_ =	shalt  }
0x4b: {  	_ =	shalt  }
0x4c: {  	_ =	shalt  }
0x4d: {  	_ =	shalt  }
0x4e: {  	_ =	shalt  }
0x4f: {  	_ =	shalt  }
0x50: {  	_ =	shalt  }
0x51: {  	_ =	shalt  }
0x52: {  	_ =	shalt  }
0x53: {  	_ =	shalt  }
0x54: {  	_ =	shalt  }
0x55: {  	_ =	shalt  }
0x56: {  	_ =	shalt  }
0x57: {  	_ =	shalt  }
0x58: {  	_ =	shalt  }
0x59: {  	_ =	shalt  }
0x5a: {  	_ =	shalt  }
0x5b: {  	_ =	shalt  }
0x5c: {  	_ =	shalt  }
0x5d: {  	_ =	shalt  }
0x5e: {  	_ =	shalt  }
0x5f: {  	_ =	shalt  }
0x60: {  	_ =	shalt  }
0x61: {  	_ =	shalt  }
0x62: {  	_ =	shalt  }
0x63: {  	_ =	shalt  }
0x64: {  	_ =	shalt  }
0x65: {  	_ =	shalt  }
0x66: {  	_ =	shalt  }
0x67: {  	_ =	shalt  }
0x68: {  	_ =	shalt  }
0x69: {  	_ =	shalt  }
0x6a: {  	_ =	shalt  }
0x6b: {  	_ =	shalt  }
0x6c: {  	_ =	shalt  }
0x6d: {  	_ =	shalt  }
0x6e: {  	_ =	shalt  }
0x6f: {  	_ =	shalt  }
0x70: {  	_ =	shalt  }
0x71: {  	_ =	shalt  }
0x72: {  	_ =	shalt  }
0x73: {  	_ =	shalt  }
0x74: {  	_ =	shalt  }
0x75: {  	_ =	shalt  }
0x76: {  	_ =	shalt  }
0x77: {  	_ =	shalt  }
0x78: {  	_ =	shalt  }
0x79: {  	_ =	shalt  }
0x7a: {  	_ =	shalt  }
0x7b: {  	_ =	shalt  }
0x7c: {  	_ =	shalt  }
0x7d: {  	_ =	shalt  }
0x7e: {  	_ =	shalt  }
0x7f: {  	_ =	shalt  }
0x80: {  	_ =	shalt  }
0x81: {  	_ =	shalt  }
0x82: {  	_ =	shalt  }
0x83: {  	_ =	shalt  }
0x84: {  	_ =	shalt  }
0x85: {  	_ =	shalt  }
0x86: {  	_ =	shalt  }
0x87: {  	_ =	shalt  }
.Lfunc_end0:
.L_simem_size_0:
called_computation.1_lowered:
.L_overlay_start_0:
0x88: {  	s2 =	sld [smem:$0x3FD9]  }
0x89: {  	s3 =	sld [smem:$0x3FFE];
	_ =	sdelay $0x1  }
0x8a: {  	s1 =	srdreg.scid  }
0x8b: {  	s0 =	sand.u32 $0x1, s1  }
0x8c: {  	s14 =	sshll.u32 s0, $0xA;
	s2 =	sadd.s32 s3, s2  }
0x8d: {  	s2 =	sadd.s32 s2, s14  }
0x8e: {  	[smem:$0x3FC5] =	sst s2  }
0x8f: {  	_ = 	snop  }
0x90: {  	s2 =	sld [smem:$0x3FD0];
	_ =	sdelay $0x2  }
0x91: {  	s15 =	simm.s32 $0xB;
	s4 =	simm.s32 $0x10  }
0x92: {  	[smem:s4], [sflag:s15] =	dma.local [hbm:s2], $0x1  }
0x93: {  	_ =	swait.eq [sflag:s15], $0x1  }
0x94: {  	[sflag:s15] =	ssyncset.done $0x0  }
0x95: {  	[sflag:s15] =	ssyncadd.s32 $0xFFFFFFFF  }
0x96: {  	s16 =	sld [smem:$0x10];
	(tm) =	ssettm $0x1  }
0x97: {  	s17 =	sld [smem:$0x3FFB];
	_ =	sdelay $0x3  }
0x98: {  	_ =	strace s17  }
0x99: {  	s3 =	sld [smem:$0x3FFC];
	_ =	sdelay $0x3  }
0x9a: {  	_ =	strace s3  }
0x9b: {  	s3 =	sld [smem:$0x3FFD];
	_ =	sdelay $0x3  }
0x9c: {  	_ =	strace s3  }
0x9d: {  	_ =	strace $0x8FFFFFFF  }
0x9e: {  	s18 =	sld [smem:$0x3FDB];
	_ =	sdelay $0x1  }
0x9f: {  	s19 =	simm.s32 $_scs_section_size  }
0xa0: {  	s5 =	simm.s32 $_size__tile_overlayer_lowered;
	s6 =	simm.s32 $_tile_overlayer_lowered  }
0xa1: {  	s22 =	simm.s32 $0x1BFF;
	s21 =	sshll.u32 s6, $0x1;
	s3 =	sadd.s32 s19, s18  }
0xa2: {  	s7 =	simm.s32 $0x0;
	s20 =	sshll.u32 s5, $0x1;
	s5 =	sadd.s32 s21, s3  }
0xa3: {  	[timem:s7], [sflag:s22] =	dma.local [hbm:s5], s20  }
0xa4: {  	_ =	swait.ge [sflag:s22], s20  }
0xa5: {  	s4 =	ssub.s32 $0x0, s20;
	[sflag:s22] =	ssyncset.done $0x0  }
0xa6: {  	[sflag:s22] =	ssyncadd.s32 s4;
	_ =	sdelay $0x1  }
0xa7: {  	s23 =	simm.s32 $0x1B8B  }
0xa8: {  	_ =	swait.ge [sflag:s23], $0x1  }
0xa9: {  	[sflag:s23] =	ssyncset.done $0x0  }
0xaa: {  	s25 =	simm.s32 $0x1B8E;
	s24 =	sld [smem:$0x3FFE];
	[sflag:s23] =	ssyncadd.s32 $0xFFFFFFFF  }
0xab: {  	s26 =	simm.s32 $execute0_lowered;
	[smem:$0x3FD2] =	sst s25  }
0xac: {  	s5 =	sshll.u32 s26, $0x1;
	_ =	strace $0x8000004F;
	[dreg:$0x1] =	wrdreg $0xFFFFFFFF  }
0xad: {  	s28 =	simm.s32 $_size_execute0_lowered;
	s3 =	sadd.s32 s3, s5;
	[dreg:$0x0] =	wrdreg $0x0  }
0xae: {  	s5 =	sshll.u32 s28, $0x1;
	[dreg:$0x2] =	wrdreg s3  }
0xaf: {  	[dreg:$0x3] =	wrdreg s5  }
0xb0: {  	[dreg:$0x4] =	wrdreg $0xC0  }
0xb1: {  	_ =	task [dreg:s7], $0x5FFFF  }
0xb2: {  	[dreg:$0x1] =	wrdreg $0xFFFFFFFF  }
0xb3: {  	[dreg:$0x0] =	wrdreg $0x60  }
0xb4: {  	[dreg:$0x2] =	wrdreg s24  }
0xb5: {  	[dreg:$0x3] =	wrdreg s16  }
0xb6: {  	[dreg:$0x4] =	wrdreg $0x9  }
0xb7: {  	_ =	task.clear_ibuf [dreg:s7], $0x5FFFF;
	_ =	strace $0x9000004F  }
0xb8: {  	s29 =	simm.s32 $0x9;
	_ =	strace $0x80000051  }
0xb9: {  	_ =	swait.ge [sflag:s29], $0x1  }
0xba: {  	[sflag:s29] =	ssyncadd.s32 $0xFFFFFFFF  }
0xbb: {  	_ =	strace $0x90000051  }
0xbc: {  	_ =	sfence  }
0xbd: {  	s30 =	sld [smem:$0x0];
	_ =	sdelay $0x2  }
0xbe: {  	s31 =	sshll.u32 s1, $0xD;
	s1 =	sshrl.u32 s1, $0x2  }
0xbf: {  	s3 =	sand.u32 $0x4000, s31;
	s1 =	sadd.s32 s1, s30  }
0xc0: {  	s0 =	sor.u32 s3, s0;
	s1 =	sshll.u32 s1, $0x11  }
0xc1: {  	s0 =	sor.u32 s1, s0  }
0xc2: {  	s0 =	sadd.s32 $0x8F2B, s0  }
0xc3: {  	[sflag:s0] =	ssyncadd.remote.s32 $0x1  }
0xc4: {  	_ =	sfence.sel $0xFFFF  }
0xc5: {  	[dreg:$0x0] =	wrdreg $0xFFFFFFFF;
	(pc) =	sbr.abs _section_cstart, $3  }
0xc6: {  	[dreg:$0x1] =	wrdreg $0xFFFFFFFF  }
0xc7: {  	_ =	task.clear_ibuf [dreg:s7], $0x2FFFF;
	_ =	strace $0x9FFFFFFF  }
0xc8: {  	(tm) =	ssettm $0x7FFFFFFF  }
0xc9: {  	_ =	shalt  }
tec
execute0_lowered:
.L_overlay_start_1:
0x0: {  	(tag) =	ssettag $0x1  }
0x1: {  	s7 =	rddreg [dreg:$0x0]  }
0x2: {  	s2 =	rddreg [dreg:$0x1]  }
0x3: {  	s0 =	rddreg [dreg:$0x2]  }
0x4: {  	s1 =	srdreg.scid;
	_ =	strace $0x80000050;
	s4 =	simm.s32 $0x1  }
0x5: {  	s9 =	simm.s32 $0x3;
	s12 =	simm.s32 $0x0;
	s5 =	sshll.u32 s1, $0x4  }
.Ltmp0:
0x6: {  	s1 =	stileid.u32;
	s5 =	sand.u32 $0x10, s5;
	(pc) =	sbr.rel .LBB2_1-.Ltmp0, $4  }
0x7: {  	s10 =	simm.s32 $0x0;
	s3 =	sadd.s32 $0x6E00, s7;
	s6 =	sor.u32 s1, s5  }
0x8: {  	[sflag:s4] =	ssyncpa.u1 $0x0;
	s5 =	simm.s32 $0x2;
	s6 =	sshll.u32 s6, $0x7  }
0x9: {  	s7 =	sadd.s32 $0x27B000, s7;
	[sflag:s5] =	ssyncpa.u1 $0x0;
	s8 =	sadd.s32 $0x80, s6  }
0xa: {  	vm0 =	vmmov $0xff;
	vm1 =	vcmask $0x3F20;
	[sflag:s9] =	ssyncpa.u1 $0x0;
	s9 =	simm.s32 $0x80;
	s11 =	smov.u32 s6  }
.LBB2_9:
0xb: {  	p0 =	seq.s32 s10, $0x2  }
.Ltmp1:
0xc: {  	_ = 	snop;
	(pc) =	sbr.rel @p0 .LBB2_11-.Ltmp1, $1  }
0xd: {  	_ =	sdelay $0x3  }
.LBB2_10:
0xe: {  	s12 =	sadd.s32 $0x80, s11  }
0xf: {  	s13 =	smov.u32 s6;
	p0 =	slt.s32 s12, s8  }
0x10: {  	s13 =	smov.u32 @p0 s12  }
0x11: {  	s10 =	sadd.s32 $0x1, s10;
	s12 =	smov.u32 s11;
	s11 =	smov.u32 s13  }
.LBB2_1:
0x12: {  	p0 =	sne.s32 s10, $0x0  }
.Ltmp2:
0x13: {  	_ = 	snop;
	(pc) =	sbr.rel @!p0 .LBB2_2-.Ltmp2, $1  }
0x14: {  	_ =	sdelay $0x3  }
0x15: {  	s13 =	sand.u32 $0x1, s10  }
0x16: {  	p0 =	seq.s32 s13, $0x0  }
.Ltmp3:
0x17: {  	_ = 	snop;
	(pc) =	sbr.rel @p0 .LBB2_9-.Ltmp3, $1  }
0x18: {  	_ =	sdelay $0x3  }
0x19: {  	_ =	swait.ge [sflag:s5], $0x80  }
0x1a: {  	[sflag:s5] =	ssyncset.done $0x0  }
0x1b: {  	s13 =	simm.s32 $0x0;
	[sflag:s5] =	ssyncadd.s32 $0xFFFFFF80  }
0x1c: {  	v0 =	vld.msk [tilespmem:s13+$0x80 ss:$0x1], $0xffff;
	_ =	sdelay $0x4  }
0x1d: {  	vm2 =	veq.s32 v0, $0x80000000;
	v1 =	vand.u32 $0x7, v0;
	v0 =	vshll.u32 v0, $0x7  }
0x1e: {  	v1 =	vsel vm2, $0xFFFFFFFF, v1;
	v0 =	vand.u32 $0x1FFFC00, v0  }
0x1f: {  	v0 =	vsel vm2, $0xFFFFFC00, v0;
	v2 =	vand.u32 $0xFFFFFC00, v1;
	v1 =	vshll.u32 v1, $0x7  }
0x20: {  	v0 =	vadd.s32 v2, v0;
	v1 =	vand.u32 $0x380, v1  }
0x21: {  	v0 =	vor.u32 v1, v0  }
0x22: {  	v0 =	vshrl.u32 v0, $0x3;
	_ =	sdelay $0x3  }
0x23: {  	s13 =	simm.s32 $0x4100  }
0x24: {  	[tilespmem:s13], [sflag:$0x1] =	stream.indirect_vreg.gather [hbm:s3], $0x80, v0, vm0, $0x38;
	[tilespmem:$0x8100] =	vst v63  }
0x25: {  	s14 =	simm.s32 $0x4500;
	s31 =	simm.s32 $0x10  }
0x26: {  	[tilespmem:s14], [sflag:$0x1] =	stream.indirect_vreg.gather [hbm:s3], $0x80, v0, vm1, $0x38;
	[tilespmem:$0x8100] =	vst v63  }
0x27: {  	s14 =	simm.s32 $0x80;
	v0 =	vld.msk [tilespmem:s31+$0x80 ss:$0x1], $0xffff  }
.LBB2_5:
0x28: {  	p0 =	sne.s32 s14, $0x1C0;
	_ =	sdelay $0x4  }
0x29: {  	vm2 =	veq.s32 v0, $0x80000000;
	v1 =	vand.u32 $0x7, v0;
	v0 =	vshll.u32 v0, $0x7  }
0x2a: {  	v1 =	vsel vm2, $0xFFFFFFFF, v1;
	v0 =	vand.u32 $0x1FFFC00, v0  }
0x2b: {  	v0 =	vsel vm2, $0xFFFFFC00, v0;
	v2 =	vand.u32 $0xFFFFFC00, v1;
	v1 =	vshll.u32 v1, $0x7  }
0x2c: {  	v0 =	vadd.s32 v2, v0;
	v1 =	vand.u32 $0x380, v1  }
0x2d: {  	v0 =	vor.u32 v1, v0  }
0x2e: {  	v0 =	vshrl.u32 v0, $0x3;
	_ =	sdelay $0x3  }
.Ltmp4:
0x2f: {  	s13 =	sadd.s32 $0x800, s13;
	(pc) =	sbr.rel @p0 .LBB2_5-.Ltmp4, $4  }
0x30: {  	[tilespmem:s13], [sflag:$0x1] =	stream.indirect_vreg.gather [hbm:s3], $0x80, v0, vm0, $0x38;
	[tilespmem:$0x8100] =	vst v63  }
0x31: {  	s15 =	sshra.s32 s14, $0x2;
	s16 =	sadd.s32 $0x400, s13  }
0x32: {  	[tilespmem:s16], [sflag:$0x1] =	stream.indirect_vreg.gather [hbm:s3], $0x80, v0, vm1, $0x38;
	[tilespmem:$0x8100] =	vst v63  }
0x33: {  	s14 =	sadd.s32 $0x40, s14;
	v0 =	vld.msk [tilespmem:s15+$0x80 ss:$0x1], $0xffff  }
0x34: {  	_ =	sdelay $0x3  }
0x35: {  	vm2 =	veq.s32 v0, $0x80000000;
	v1 =	vand.u32 $0x7, v0;
	v63 =	vshll.u32 v0, $0x7  }
0x36: {  	v1 =	vsel vm2, $0xFFFFFFFF, v1;
	v0 =	vand.u32 $0x1FFFC00, v63  }
0x37: {  	v0 =	vsel vm2, $0xFFFFFC00, v0;
	v2 =	vand.u32 $0xFFFFFC00, v1;
	v1 =	vshll.u32 v1, $0x7  }
0x38: {  	v0 =	vadd.s32 v2, v0;
	v1 =	vand.u32 $0x380, v1  }
0x39: {  	v0 =	vor.u32 v1, v0  }
0x3a: {  	v0 =	vshrl.u32 v0, $0x3;
	_ =	sdelay $0x3  }
0x3b: {  	s13 =	sadd.s32 $0x800, s13  }
0x3c: {  	[tilespmem:s13], [sflag:$0x1] =	stream.indirect_vreg.gather [hbm:s3], $0x80, v0, vm0, $0x38;
	[tilespmem:$0x8100] =	vst v63  }
0x3d: {  	s13 =	sadd.s32 $0x400, s13  }
0x3e: {  	[tilespmem:s13], [sflag:$0x1] =	stream.indirect_vreg.gather [hbm:s3], $0x80, v0, vm1, $0x38;
	[tilespmem:$0x8100] =	vst v63  }
0x3f: {  	s12 =	sshll.u32 s12, $0x4;
	s14 =	simm.s32 $0x80;
	_ =	swait.ge [sflag:s4], $0x4000  }
0x40: {  	s15 =	simm.s32 $0x4500;
	s12 =	sadd.s32 s12, s7;
	[sflag:s4] =	ssyncset.done $0x0  }
0x41: {  	s16 =	sadd.s32 $0x0, s12;
	s13 =	simm.s32 $0x4100;
	[sflag:s4] =	ssyncadd.s32 $0xFFFFC000  }
.LBB2_7:
0x42: {  	[hbm:s16] =	stream.linear.scatter [tilespmem:s13], [sflag:$0x3], $0x400, $0x38;
	[tilespmem:$0x8100] =	vst v63  }
0x43: {  	s16 =	smov.u32 s14;
	s13 =	smov.u32 s15;
	p0 =	sne.s32 s14, $0x780  }
.Ltmp5:
0x44: {  	s14 =	sadd.s32 $0x80, s14;
	(pc) =	sbr.rel @p0 .LBB2_7-.Ltmp5, $2  }
0x45: {  	_ =	sdelay $0x2  }
0x46: {  	s15 =	sadd.s32 $0x400, s15;
	s16 =	sadd.s32 s16, s12  }
.Ltmp6:
0x47: {  	(pc) =	sbr.rel .LBB2_9-.Ltmp6, $2  }
0x48: {  	_ =	sdelay $0x2  }
0x49: {  	[hbm:s16] =	stream.linear.scatter [tilespmem:s13], [sflag:$0x3], $0x400, $0x38;
	[tilespmem:$0x8100] =	vst v63  }
.LBB2_2:
.Ltmp7:
0x4a: {  	(pc) =	sbr.rel .LBB2_10-.Ltmp7, $4  }
0x4b: {  	_ = 	snop  }
0x4c: {  	s12 =	sshrl.u32 s11, $0x3  }
0x4d: {  	s13 =	sand.u32 $0x7, s11;
	s12 =	sadd.s32 s2, s12  }
0x4e: {  	[tilespmem:s9], [sflag:$0x2] =	stream.linear.gather [hbm4b:s12+s13], $0x80, $0x38;
	[tilespmem:$0x8100] =	vst v63  }
.LBB2_11:
0x4f: {  	s2 =	simm.s32 $0x3  }
0x50: {  	_ =	swait.ge [sflag:s2], $0x4000  }
0x51: {  	[sflag:s2] =	ssyncset.done $0x0  }
0x52: {  	[sflag:s2] =	ssyncadd.s32 $0xFFFFC000  }
0x53: {  	_ =	sfence.sel $0x180000  }
0x54: {  	s3 =	simm.s32 $0x2;
	[bflag:$0x0] =	sbarrier.arrive $0xFFFF  }
0x55: {  	[sflag:s3] =	ssyncpa.u1 $0x1  }
0x56: {  	s31 =	simm.s32 $0x1;
	[sflag:s2] =	ssyncpa.u1 $0x1  }
0x57: {  	[sflag:s31] =	ssyncpa.u1 $0x1  }
0x58: {  	p0 =	sne.s32 s1, $0x0;
	_ =	strace $0x90000050  }
0x59: {  	s0 =	sadd.s32 @!p0 $0x100000, s0;
	[bflag:$0x2] =	sbarrier.arrive $0xFFFF  }
0x5a: {  	[sflag:s0] =	ssyncadd.tile.s32 @!p0 $0x1;
	_ =	shalt  }
.Lfunc_end2:
_tile_overlayer_lowered:
.L_overlay_start_2:
0x5b: {  	(tag) =	ssettag $0x2  }
0x5c: {  	s0 =	rddreg [dreg:$0x0];
	s2 =	stileid.u32  }
0x5d: {  	s1 =	rddreg [dreg:$0x1];
	p0 =	sne.s32 s2, $0x0  }
0x5e: {  	s3 =	rddreg [dreg:$0x2];
	[bflag:$0x3] =	sbarrier.arrive $0xFFFF;
	s2 =	simm.s32 @!p0 $0x1C01  }
0x5f: {  	[timem:s3], [sflag:s2] =	dma.local @!p0 [hbm:s0], s1  }
0x60: {  	s0 =	simm.s32 @!p0 $0x1  }
0x61: {  	_ =	swait.ge @!p0 [sflag:s0], s1  }
0x62: {  	s1 =	ssub.s32 @!p0 $0x0, s1;
	[sflag:s0] =	ssyncset.done @!p0 $0x0  }
0x63: {  	[sflag:s0] =	ssyncadd.s32 @!p0 s1  }
0x64: {  	[bflag:$0x3] =	sbarrier.arrive $0xFFFF  }
0x65: {  	_ =	shalt  }

// kernel: gather_offload_async_start.2
scs
__scs_entry_jumppad:
0x0: {  	(pc) =	sbr.rel $0x88, $3  }
0x1: {  	(tag) =	ssettag $0x0;
	lr =	simm.s32 $0x1  }
0x2: {  	[smem:$0x3F9E] =	sst lr;
	_ =	strace $0xD0000000  }
0x3: {  	_ = 	snop  }
0x4: {  	_ = 	snop  }
0x5: {  	_ = 	snop  }
0x6: {  	_ = 	snop  }
0x7: {  	_ = 	snop  }
__scs_overlays_trampoline_lowered:
0x8: {  	[smem:$0x3FAD] =	sst s0  }
0x9: {  	[smem:$0x3FAE] =	sst s1  }
0xa: {  	[smem:$0x3FAF] =	sst s2  }
0xb: {  	[smem:$0x3FB0] =	sst s3  }
0xc: {  	[smem:$0x3FB1] =	sst s4  }
0xd: {  	[smem:$0x3FB2] =	sst s5  }
0xe: {  	[smem:$0x3FB3] =	sst s6  }
0xf: {  	[smem:$0x3FB4] =	sst s7  }
0x10: {  	[smem:$0x3FB5] =	sst s8  }
0x11: {  	[smem:$0x3FB6] =	sst s9;
	s0 =	simm.s32 @!p0 $0x0  }
0x12: {  	s1 =	sld [smem:$0x3F9C];
	s0 =	simm.s32 @p0 $0x1  }
0x13: {  	[smem:$0x3FB7] =	sst s0;
	s0 =	simm.s32 @!p1 $0x0  }
0x14: {  	s2 =	sld [smem:$0x3F9B];
	s0 =	simm.s32 @p1 $0x1  }
0x15: {  	[smem:$0x3FB8] =	sst s0;
	s0 =	simm.s32 @!p2 $0x0  }
0x16: {  	s3 =	sld [smem:$0x3FDB];
	s0 =	simm.s32 @p2 $0x1  }
0x17: {  	s4 =	simm.s32 $0x1BF5;
	[smem:$0x3FBA] =	sst s0  }
0x18: {  	s0 =	sld [smem:$0x3F9D];
	_ =	swait.ge [sflag:s4], $0x0  }
0x19: {  	s7 =	sld [smem:$0x3F9E]  }
0x1a: {  	s8 =	sadd.s32 $0xFFFFE003, lr  }
0x1b: {  	s9 =	sadd.s32 $0xFFFFFEF7, lr;
	s5 =	simm.s32 $0xFFFFFFFF;
	p2 =	slt.u32 s8, $0xFFFFF086  }
0x1c: {  	p1 =	slt.u32 s9, $0xF7A;
	s5 =	simm.s32 @!p2 $0x0  }
0x1d: {  	s5 =	simm.s32 @p1 $0x1;
	p0 =	seq.s32 s7, s2  }
0x1e: {  	s7 =	smul.u32 @!p0 $0xF7A, s2;
	p2 =	seq.s32 @!p0 s5, $0x0  }
0x1f: {  	s9 =	smul.u32 $0xF7A, s1;
	s8 =	simm.s32 @!p0 $0x1BF5;
	p2 =	por !p2, p0  }
0x20: {  	[sflag:s8] =	ssyncset.s32 @!p0 $0xFFFFF086;
	s6 =	sadd.s32 @!p0 s3, s7;
	s7 =	simm.s32 @!p0 $0x108  }
0x21: {  	s3 =	sadd.s32 s3, s9;
	s6 =	sadd.s32 @!p0 $0x88, s6;
	s7 =	simm.s32 @p2 $0x1082  }
0x22: {  	[simem:s7], [sflag:s8] =	dma.local @!p0 [hbm:s6], $0xF7A  }
0x23: {  	s9 =	sor.u32 $0xD0000000, s2;
	s6 =	simm.s32 $0x108;
	_ =	swait.ge @!p0 [sflag:s8], $0x0  }
0x24: {  	s3 =	sadd.s32 $0x88, s3;
	s6 =	simm.s32 @!p1 $0x1082;
	[sflag:s4] =	ssyncset.s32 $0xFFFFF086  }
0x25: {  	[simem:s6], [sflag:s4] =	dma.local [hbm:s3], $0xF7A  }
0x26: {  	[smem:$0x3F9E] =	sst s1;
	(tag) =	ssettag s2;
	_ =	strace s9  }
0x27: {  	s1 =	sld [smem:$0x3FAE]  }
0x28: {  	s2 =	sld [smem:$0x3FAF]  }
0x29: {  	s4 =	sld [smem:$0x3FB1]  }
0x2a: {  	p0 =	seq.s32 s5, $0x0;
	s5 =	sld [smem:$0x3FB2]  }
0x2b: {  	s6 =	sld [smem:$0x3FB3]  }
0x2c: {  	s7 =	sld [smem:$0x3FB4]  }
0x2d: {  	s3 =	simm.s32 $0x108;
	s8 =	sld [smem:$0x3FB5]  }
0x2e: {  	s3 =	simm.s32 @!p0 $0x1082;
	s9 =	sld [smem:$0x3FB6]  }
0x2f: {  	lr =	sadd.s32 s0, s3;
	s0 =	sld [smem:$0x3FAD]  }
0x30: {  	s3 =	sld [smem:$0x3FB0]  }
0x31: {  	[smem:$0x3FB9] =	sst s10  }
0x32: {  	s10 =	sld [smem:$0x3FB7];
	_ =	sdelay $0x3  }
0x33: {  	p0 =	seq.s32 s10, $0x1;
	s10 =	sld [smem:$0x3FB9];
	_ =	sdelay $0x3  }
0x34: {  	[smem:$0x3FB9] =	sst s10  }
0x35: {  	s10 =	sld [smem:$0x3FB8];
	_ =	sdelay $0x3  }
0x36: {  	p1 =	seq.s32 s10, $0x1;
	s10 =	sld [smem:$0x3FB9];
	_ =	sdelay $0x3  }
0x37: {  	[smem:$0x3FB9] =	sst s10  }
0x38: {  	s10 =	sld [smem:$0x3FBA]  }
0x39: {  	_ = 	snop;
	(pc) =	sbr.ind lr, $3  }
0x3a: {  	_ = 	snop  }
0x3b: {  	_ = 	snop  }
0x3c: {  	p2 =	seq.s32 s10, $0x1;
	s10 =	sld [smem:$0x3FB9]  }
0x3d: {  	_ =	shalt  }
0x3e: {  	_ =	shalt  }
0x3f: {  	_ =	shalt  }
0x40: {  	_ =	shalt  }
0x41: {  	_ =	shalt  }
0x42: {  	_ =	shalt  }
0x43: {  	_ =	shalt  }
0x44: {  	_ =	shalt  }
0x45: {  	_ =	shalt  }
0x46: {  	_ =	shalt  }
0x47: {  	_ =	shalt  }
0x48: {  	_ =	shalt  }
0x49: {  	_ =	shalt  }
0x4a: {  	_ =	shalt  }
0x4b: {  	_ =	shalt  }
0x4c: {  	_ =	shalt  }
0x4d: {  	_ =	shalt  }
0x4e: {  	_ =	shalt  }
0x4f: {  	_ =	shalt  }
0x50: {  	_ =	shalt  }
0x51: {  	_ =	shalt  }
0x52: {  	_ =	shalt  }
0x53: {  	_ =	shalt  }
0x54: {  	_ =	shalt  }
0x55: {  	_ =	shalt  }
0x56: {  	_ =	shalt  }
0x57: {  	_ =	shalt  }
0x58: {  	_ =	shalt  }
0x59: {  	_ =	shalt  }
0x5a: {  	_ =	shalt  }
0x5b: {  	_ =	shalt  }
0x5c: {  	_ =	shalt  }
0x5d: {  	_ =	shalt  }
0x5e: {  	_ =	shalt  }
0x5f: {  	_ =	shalt  }
0x60: {  	_ =	shalt  }
0x61: {  	_ =	shalt  }
0x62: {  	_ =	shalt  }
0x63: {  	_ =	shalt  }
0x64: {  	_ =	shalt  }
0x65: {  	_ =	shalt  }
0x66: {  	_ =	shalt  }
0x67: {  	_ =	shalt  }
0x68: {  	_ =	shalt  }
0x69: {  	_ =	shalt  }
0x6a: {  	_ =	shalt  }
0x6b: {  	_ =	shalt  }
0x6c: {  	_ =	shalt  }
0x6d: {  	_ =	shalt  }
0x6e: {  	_ =	shalt  }
0x6f: {  	_ =	shalt  }
0x70: {  	_ =	shalt  }
0x71: {  	_ =	shalt  }
0x72: {  	_ =	shalt  }
0x73: {  	_ =	shalt  }
0x74: {  	_ =	shalt  }
0x75: {  	_ =	shalt  }
0x76: {  	_ =	shalt  }
0x77: {  	_ =	shalt  }
0x78: {  	_ =	shalt  }
0x79: {  	_ =	shalt  }
0x7a: {  	_ =	shalt  }
0x7b: {  	_ =	shalt  }
0x7c: {  	_ =	shalt  }
0x7d: {  	_ =	shalt  }
0x7e: {  	_ =	shalt  }
0x7f: {  	_ =	shalt  }
0x80: {  	_ =	shalt  }
0x81: {  	_ =	shalt  }
0x82: {  	_ =	shalt  }
0x83: {  	_ =	shalt  }
0x84: {  	_ =	shalt  }
0x85: {  	_ =	shalt  }
0x86: {  	_ =	shalt  }
0x87: {  	_ =	shalt  }
.Lfunc_end0:
.L_simem_size_0:
called_computation.2_lowered:
.L_overlay_start_0:
0x88: {  	s2 =	sld [smem:$0x3FD9]  }
0x89: {  	s3 =	sld [smem:$0x3FFE];
	_ =	sdelay $0x1  }
0x8a: {  	s1 =	srdreg.scid  }
0x8b: {  	s0 =	sand.u32 $0x1, s1  }
0x8c: {  	s14 =	sshll.u32 s0, $0xA;
	s2 =	sadd.s32 s3, s2  }
0x8d: {  	s2 =	sadd.s32 s2, s14  }
0x8e: {  	[smem:$0x3FC5] =	sst s2  }
0x8f: {  	_ = 	snop  }
0x90: {  	s2 =	sld [smem:$0x3FD0];
	_ =	sdelay $0x2  }
0x91: {  	s15 =	simm.s32 $0xB;
	s4 =	simm.s32 $0x10  }
0x92: {  	[smem:s4], [sflag:s15] =	dma.local [hbm:s2], $0x1  }
0x93: {  	_ =	swait.eq [sflag:s15], $0x1  }
0x94: {  	[sflag:s15] =	ssyncset.done $0x0  }
0x95: {  	s16 =	sld [smem:$0x10];
	[sflag:s15] =	ssyncadd.s32 $0xFFFFFFFF  }
0x96: {  	s17 =	sld [smem:$0x13];
	(tm) =	ssettm $0x1  }
0x97: {  	s18 =	sld [smem:$0x3FFB];
	_ =	sdelay $0x3  }
0x98: {  	_ =	strace s18  }
0x99: {  	s4 =	sld [smem:$0x3FFC];
	_ =	sdelay $0x3  }
0x9a: {  	_ =	strace s4  }
0x9b: {  	s4 =	sld [smem:$0x3FFD];
	_ =	sdelay $0x3  }
0x9c: {  	_ =	strace s4  }
0x9d: {  	_ =	strace $0x8FFFFFFF  }
0x9e: {  	s19 =	sld [smem:$0x3FDB];
	_ =	sdelay $0x1  }
0x9f: {  	s5 =	simm.s32 $_scs_section_size  }
0xa0: {  	s6 =	simm.s32 $_size__tile_overlayer_lowered;
	s7 =	simm.s32 $_tile_overlayer_lowered  }
0xa1: {  	s22 =	simm.s32 $0x1BFF;
	s21 =	sshll.u32 s7, $0x1;
	s4 =	sadd.s32 s5, s19  }
0xa2: {  	s8 =	simm.s32 $0x0;
	s20 =	sshll.u32 s6, $0x1;
	s6 =	sadd.s32 s21, s4  }
0xa3: {  	[timem:s8], [sflag:s22] =	dma.local [hbm:s6], s20  }
0xa4: {  	_ =	swait.ge [sflag:s22], s20  }
0xa5: {  	s5 =	ssub.s32 $0x0, s20;
	[sflag:s22] =	ssyncset.done $0x0  }
0xa6: {  	[sflag:s22] =	ssyncadd.s32 s5;
	_ =	sdelay $0x1  }
0xa7: {  	s23 =	simm.s32 $0x1B8B  }
0xa8: {  	_ =	swait.ge [sflag:s23], $0x1  }
0xa9: {  	[sflag:s23] =	ssyncset.done $0x0  }
0xaa: {  	s25 =	simm.s32 $0x1B8E;
	s24 =	sld [smem:$0x3FFE];
	[sflag:s23] =	ssyncadd.s32 $0xFFFFFFFF  }
0xab: {  	s26 =	simm.s32 $execute0_lowered;
	[smem:$0x3FD2] =	sst s25  }
0xac: {  	s6 =	sshll.u32 s26, $0x1;
	_ =	strace $0x80000049;
	[dreg:$0x1] =	wrdreg $0xFFFFFFFF  }
0xad: {  	s28 =	simm.s32 $_size_execute0_lowered;
	s4 =	sadd.s32 s4, s6;
	[dreg:$0x0] =	wrdreg $0x0  }
0xae: {  	s6 =	sshll.u32 s28, $0x1;
	[dreg:$0x2] =	wrdreg s4  }
0xaf: {  	[dreg:$0x3] =	wrdreg s6  }
0xb0: {  	[dreg:$0x4] =	wrdreg $0xC0  }
0xb1: {  	_ =	task [dreg:s8], $0x5FFFF  }
0xb2: {  	[dreg:$0x1] =	wrdreg $0xFFFFFFFF  }
0xb3: {  	[dreg:$0x0] =	wrdreg $0x60  }
0xb4: {  	[dreg:$0x2] =	wrdreg s24  }
0xb5: {  	[dreg:$0x3] =	wrdreg s16  }
0xb6: {  	[dreg:$0x4] =	wrdreg s17  }
0xb7: {  	[dreg:$0x5] =	wrdreg $0x9  }
0xb8: {  	_ =	task.clear_ibuf [dreg:s8], $0x6FFFF;
	_ =	strace $0x90000049  }
0xb9: {  	s29 =	simm.s32 $0x9;
	_ =	strace $0x8000004B  }
0xba: {  	_ =	swait.ge [sflag:s29], $0x1  }
0xbb: {  	[sflag:s29] =	ssyncadd.s32 $0xFFFFFFFF  }
0xbc: {  	_ =	strace $0x9000004B  }
0xbd: {  	_ =	sfence  }
0xbe: {  	s30 =	sld [smem:$0x0];
	_ =	sdelay $0x2  }
0xbf: {  	s31 =	sshll.u32 s1, $0xD;
	s1 =	sshrl.u32 s1, $0x2  }
0xc0: {  	s3 =	sand.u32 $0x4000, s31;
	s1 =	sadd.s32 s1, s30  }
0xc1: {  	s0 =	sor.u32 s3, s0;
	s1 =	sshll.u32 s1, $0x11  }
0xc2: {  	s0 =	sor.u32 s1, s0  }
0xc3: {  	s0 =	sadd.s32 $0x8F2B, s0  }
0xc4: {  	[sflag:s0] =	ssyncadd.remote.s32 $0x1  }
0xc5: {  	_ =	sfence.sel $0xFFFF  }
0xc6: {  	[dreg:$0x0] =	wrdreg $0xFFFFFFFF;
	(pc) =	sbr.abs _section_cstart, $3  }
0xc7: {  	[dreg:$0x1] =	wrdreg $0xFFFFFFFF  }
0xc8: {  	_ =	task.clear_ibuf [dreg:s8], $0x2FFFF;
	_ =	strace $0x9FFFFFFF  }
0xc9: {  	(tm) =	ssettm $0x7FFFFFFF  }
tec
execute0_lowered:
.L_overlay_start_1:
0x0: {  	(tag) =	ssettag $0x1  }
0x1: {  	s2 =	rddreg [dreg:$0x0]  }
0x2: {  	s0 =	srdreg.scid;
	s3 =	rddreg [dreg:$0x1]  }
0x3: {  	s5 =	rddreg [dreg:$0x2];
	s7 =	simm.s32 $0x1;
	s1 =	sshll.u32 s0, $0x4  }
0x4: {  	s8 =	simm.s32 $0x3;
	s0 =	stileid.u32;
	s1 =	sand.u32 $0x10, s1  }
0x5: {  	s10 =	simm.s32 $0x4;
	s11 =	simm.s32 $0x0;
	s1 =	sor.u32 s0, s1  }
0x6: {  	s4 =	smin.u32 s1, $0x8;
	p0 =	slt.u32 s1, $0x8;
	s1 =	simm.s32 $0x200  }
0x7: {  	s12 =	simm.s32 $0xFFFFF800;
	s4 =	sshll.u32 s4, $0x9;
	s1 =	simm.s32 @!p0 $0x0  }
0x8: {  	s13 =	simm.s32 $0xFFFFFE00;
	s14 =	simm.s32 $0xFFFFFFFF;
	s6 =	sadd.s32 s1, s4  }
0x9: {  	s18 =	simm.s32 $0x0;
	s1 =	rddreg [dreg:$0x3];
	s6 =	smin.u32 s6, $0x1000  }
.Ltmp0:
0xa: {  	_ =	strace $0x8000004A;
	s9 =	ssub.s32 s6, s4;
	(pc) =	sbr.rel .LBB2_1-.Ltmp0, $4  }
0xb: {  	[sflag:s7] =	ssyncpa.u1 $0x0;
	s7 =	simm.s32 $0x2;
	p0 =	sgt.s32 s9, $0x0  }
0xc: {  	s15 =	simm.s32 $0x0;
	[sflag:s7] =	ssyncpa.u1 $0x0;
	s9 =	simm.s32 @!p0 $0x0  }
0xd: {  	s17 =	simm.s32 $0x0;
	[sflag:s8] =	ssyncpa.u1 $0x0;
	s9 =	sshrl.u32 s9, $0x9  }
0xe: {  	v0 =	vlaneseq.u32;
	vm0 =	vmmov $0xffff;
	s16 =	smov.u32 s4;
	[sflag:s10] =	ssyncpa.u1 $0x0;
	s10 =	sadd.s32 $0x2, s9  }
.LBB2_7:
0xf: {  	p0 =	slt.u32 s17, $0x3  }
0x10: {  	s18 =	simm.s32 @!p0 $0x4  }
0x11: {  	_ =	swait.ge @!p0 [sflag:s18], $0x80  }
0x12: {  	s19 =	sadd.s32 $0x200, s16;
	[sflag:s18] =	ssyncset.done @!p0 $0x0  }
0x13: {  	s20 =	smov.u32 s4;
	[sflag:s18] =	ssyncadd.s32 @!p0 $0xFFFFFF80;
	p0 =	slt.s32 s19, s6  }
0x14: {  	s20 =	smov.u32 @p0 s19;
	p0 =	sne.s32 s17, s10  }
.Ltmp1:
0x15: {  	_ = 	snop;
	(pc) =	sbr.rel @!p0 .LBB2_8-.Ltmp1, $4  }
0x16: {  	_ = 	snop  }
0x17: {  	s31 =	sadd.s32 $0x1, s17;
	s12 =	sadd.s32 $0x800, s12  }
0x18: {  	s13 =	sadd.s32 $0x200, s13;
	s14 =	sadd.s32 $0x1, s14;
	s18 =	smov.u32 s15  }
0x19: {  	s15 =	smov.u32 s16;
	s17 =	smov.u32 s31;
	s16 =	smov.u32 s20  }
.LBB2_1:
0x1a: {  	p0 =	sge.u32 s17, s9  }
0x1b: {  	s19 =	smulhi.u32 @!p0 $0xAAAAAAAB, s17;
	_ =	sdelay $0x1  }
0x1c: {  	s19 =	sshrl.u32 @!p0 s19, $0x1  }
0x1d: {  	s19 =	smul.u32 @!p0 $0x3, s19;
	_ =	sdelay $0x1  }
0x1e: {  	s31 =	sadd.s32 $0xFFFFFFFF, s17;
	s20 =	sshrl.u32 @!p0 s16, $0x3;
	s19 =	ssub.s32 @!p0 s17, s19  }
0x1f: {  	s21 =	sand.u32 @!p0 $0x7, s16;
	s20 =	sadd.s32 @!p0 s3, s20;
	s19 =	sshll.u32 @!p0 s19, $0x9  }
0x20: {  	[tilespmem:s19], [sflag:$0x2] =	stream.linear.gather @!p0 [hbm4b:s20+s21], $0x200, $0x38;
	[tilespmem:$0xB00] =	vst v63  }
0x21: {  	p0 =	sge.u32 s31, s9  }
.Ltmp2:
0x22: {  	_ = 	snop;
	(pc) =	sbr.rel @p0 .LBB2_5-.Ltmp2, $1  }
0x23: {  	_ =	sdelay $0x3  }
0x24: {  	s19 =	smulhi.u32 $0xAAAAAAAB, s14;
	_ =	sdelay $0x1  }
0x25: {  	s19 =	sshrl.u32 s19, $0x1  }
0x26: {  	s19 =	smul.u32 $0xFFFFE800, s19;
	_ =	sdelay $0x1  }
0x27: {  	_ =	swait.ge [sflag:s7], $0x200;
	s19 =	sshra.s32 s19, $0x2  }
0x28: {  	[sflag:s7] =	ssyncset.done $0x0;
	s21 =	sadd.s32 s19, s13  }
0x29: {  	[sflag:s7] =	ssyncadd.s32 $0xFFFFFE00;
	(ifvalue) =	ssetifvalue $0x7FFFFFFF;
	v1 =	vld.msk [tilespmem:s21+$0x0 ss:$0x1], $0xffff;
	_ =	sdelay $0x2  }
0x2a: {  	s19 =	sadd.s32 $0x10, s21  }
0x2b: {  	s22 =	ssub.s32 $0x1000, s15;
	v3 =	vld.msk [tilespmem:s19+$0x0 ss:$0x1], $0xffff  }
0x2c: {  	p0 =	slt.s32 s22, $0x200;
	vm1 =	veq.s32 v1, $0x80000000;
	v2 =	vand.u32 $0x7, v1;
	v1 =	vshrl.u32 v1, $0x3  }
0x2d: {  	s22 =	simm.s32 @!p0 $0x200;
	v2 =	vsel vm1, $0xFFFFFFFF, v2;
	v1 =	vand.u32 $0x7FFF, v1  }
0x2e: {  	p0 =	sgt.s32 s22, $0x0;
	s20 =	smov.u32 s22;
	v1 =	vsel vm1, $0xFFFFFFFF, v1;
	v4 =	vshrl.u32 v2, $0x3  }
0x2f: {  	s20 =	simm.s32 @!p0 $0x0;
	v6 =	vshll.u32 v2, $0x7;
	v4 =	vmul.u32 $0x27800, v4;
	v5 =	vshll.u32 v1, $0x3  }
0x30: {  	s20 =	smin.u32 s20, $0x10;
	vm1 =	veq.s32 v3, $0x80000000;
	v1 =	vshll.u32 v1, $0x2;
	v5 =	vand.u32 $0xFFFFFC00, v5  }
0x31: {  	v4 =	vadd.s32 v4, v5;
	v5 =	vand.u32 $0x200, v6;
	v6 =	vmov s20  }
0x32: {  	v1 =	vand.u32 $0x1FC, v1;
	v4 =	vor.u32 v5, v4;
	vm2 =	vgt.u32 v6, v0  }
0x33: {  	v1 =	vor.u32 v1, v4;
	v4 =	vand.u32 $0x7, v3;
	v3 =	vshrl.u32 v3, $0x3  }
0x34: {  	s20 =	sadd.s32 $0x10, s19;
	v5 =	vshrl.u32 v1, $0x2;
	v1 =	vsel vm1, $0xFFFFFFFF, v4;
	v3 =	vand.u32 $0x7FFF, v3  }
0x35: {  	s22 =	sadd.s32 $0xFFFFFFF0, s22;
	v4 =	vnsel vm2, $0x7FFFFFFF, v5;
	v5 =	vld.msk [tilespmem:s20+$0x0 ss:$0x1], $0xffff;
	v3 =	vsel vm1, $0xFFFFFFFF, v3;
	v6 =	vshrl.u32 v1, $0x3  }
0x36: {  	p0 =	sgt.s32 s22, $0x0;
	s24 =	smov.u32 s22;
	v6 =	vmul.u32 $0x27800, v6;
	v7 =	vshll.u32 v3, $0x3  }
0x37: {  	s23 =	sshrl.u32 s12, $0x2;
	s24 =	simm.s32 @!p0 $0x0;
	v2 =	vand.u32 $0x3, v2;
	v8 =	vshll.u32 v1, $0x7;
	v7 =	vand.u32 $0xFFFFFC00, v7  }
0x38: {  	s23 =	sand.u32 $0x200, s23;
	s31 =	smin.u32 s24, $0x10;
	[tilespmem:s21+$0x0] =	vst v2;
	v3 =	vshll.u32 v3, $0x2;
	v2 =	vadd.s32 v6, v7;
	v6 =	vand.u32 $0x200, v8  }
0x39: {  	s21 =	sadd.s32 $0x600, s23;
	v3 =	vand.u32 $0x1FC, v3;
	v7 =	vmov s31;
	v2 =	vor.u32 v6, v2  }
0x3a: {  	s23 =	simm.s32 $0x20;
	s24 =	sadd.s32 $0x10, s20;
	(ifvalue) =	ssetifvalue $0x7FFFFFFF;
	vm1 =	vgt.u32 v7, v0;
	vm2 =	veq.s32 v5, $0x80000000;
	v2 =	vor.u32 v3, v2  }
0x3b: {  	[tilespmem:s21], [sflag:$0x3] =	stream.indirect_vreg.gather [hbm4b:s2+s11], $0x1, v4, vm0, $0x4038;
	v3 =	vand.u32 $0x7, v5;
	v4 =	vshrl.u32 v5, $0x3;
	v2 =	vshrl.u32 v2, $0x2;
	[tilespmem:$0xB00] =	vst v63  }
.LBB2_3:
0x3c: {  	v5 =	vld.msk [tilespmem:s24+$0x0 ss:$0x1], $0xffff;
	v3 =	vsel vm2, $0xFFFFFFFF, v3;
	v4 =	vand.u32 $0x7FFF, v4;
	v2 =	vnsel vm1, $0x7FFFFFFF, v2  }
0x3d: {  	s23 =	sadd.s32 $0x10, s23;
	s22 =	sadd.s32 $0xFFFFFFF0, s22;
	v4 =	vsel vm2, $0xFFFFFFFF, v4;
	v6 =	vshrl.u32 v3, $0x3  }
0x3e: {  	p0 =	slt.u32 s23, $0x1F0;
	p1 =	sgt.s32 s22, $0x0;
	s25 =	smov.u32 s22;
	v6 =	vmul.u32 $0x27800, v6;
	v7 =	vshll.u32 v4, $0x3  }
.Ltmp3:
0x3f: {  	v9 =	vand.u32 $0x3, v1;
	v8 =	vshll.u32 v3, $0x7;
	v1 =	vmovc v3;
	s25 =	simm.s32 @!p1 $0x0;
	v7 =	vand.u32 $0xFFFFFC00, v7;
	(pc) =	sbr.rel @p0 .LBB2_3-.Ltmp3, $4  }
0x40: {  	s21 =	sadd.s32 $0x10, s21;
	v4 =	vshll.u32 v4, $0x2;
	s25 =	smin.u32 s25, $0x10;
	v3 =	vadd.s32 v6, v7;
	v6 =	vand.u32 $0x200, v8;
	[tilespmem:s19+$0x0] =	vst v9;
	(ifvalue) =	ssetifvalue $0x7FFFFFFF  }
0x41: {  	v4 =	vand.u32 $0x1FC, v4;
	v7 =	vmov s25;
	v3 =	vor.u32 v6, v3;
	[tilespmem:s21], [sflag:$0x3] =	stream.indirect_vreg.gather [hbm4b:s2+s11], $0x1, v2, vm0, $0x4038;
	[tilespmem:$0xB00] =	vst v63  }
0x42: {  	s19 =	smov.u32 s20;
	s20 =	smov.u32 s24;
	vm2 =	veq.s32 v5, $0x80000000;
	vm1 =	vgt.u32 v7, v0;
	v2 =	vor.u32 v4, v3  }
0x43: {  	s24 =	sadd.s32 $0x10, s24;
	v3 =	vand.u32 $0x7, v5;
	v4 =	vshrl.u32 v5, $0x3;
	v2 =	vshrl.u32 v2, $0x2  }
0x44: {  	v3 =	vsel vm2, $0xFFFFFFFF, v3;
	v4 =	vand.u32 $0x7FFF, v4  }
0x45: {  	v4 =	vsel vm2, $0xFFFFFFFF, v4;
	v5 =	vshrl.u32 v3, $0x3  }
0x46: {  	s22 =	sadd.s32 $0xFFFFFFF0, s22;
	v5 =	vmul.u32 $0x27800, v5;
	v6 =	vshll.u32 v4, $0x3  }
0x47: {  	p0 =	sgt.s32 s22, $0x0;
	v7 =	vshll.u32 v3, $0x7;
	v6 =	vand.u32 $0xFFFFFC00, v6  }
0x48: {  	s22 =	simm.s32 @!p0 $0x0;
	v62 =	vand.u32 $0x200, v7;
	v4 =	vshll.u32 v4, $0x2;
	v5 =	vadd.s32 v5, v6  }
0x49: {  	s22 =	smin.u32 s22, $0x10;
	v4 =	vand.u32 $0x1FC, v4;
	v5 =	vor.u32 v62, v5  }
0x4a: {  	v2 =	vnsel vm1, $0x7FFFFFFF, v2;
	v63 =	vmov s22;
	v4 =	vor.u32 v4, v5  }
0x4b: {  	vm1 =	vgt.u32 v63, v0;
	v4 =	vshrl.u32 v4, $0x2  }
0x4c: {  	v4 =	vnsel vm1, $0x7FFFFFFF, v4  }
0x4d: {  	v1 =	vand.u32 $0x3, v1  }
0x4e: {  	s31 =	sadd.s32 $0x10, s21;
	[tilespmem:s19+$0x0] =	vst v1;
	(ifvalue) =	ssetifvalue $0x7FFFFFFF  }
0x4f: {  	v1 =	vand.u32 $0x3, v3;
	[tilespmem:s31], [sflag:$0x3] =	stream.indirect_vreg.gather [hbm4b:s2+s11], $0x1, v2, vm0, $0x4038;
	[tilespmem:$0xB00] =	vst v63  }
0x50: {  	s19 =	sadd.s32 $0x10, s31;
	[tilespmem:s20+$0x0] =	vst v1;
	(ifvalue) =	ssetifvalue $0x7FFFFFFF  }
0x51: {  	[tilespmem:s19], [sflag:$0x3] =	stream.indirect_vreg.gather [hbm4b:s2+s11], $0x1, v4, vm0, $0x4038;
	[tilespmem:$0xB00] =	vst v63  }
.LBB2_5:
0x52: {  	p0 =	slt.u32 s17, $0x2  }
0x53: {  	p1 =	sge.u32 @!p0 s17, s10  }
0x54: {  	p0 =	por p0, p1  }
.Ltmp4:
0x55: {  	_ = 	snop;
	(pc) =	sbr.rel @p0 .LBB2_7-.Ltmp4, $1  }
0x56: {  	_ =	sdelay $0x3  }
0x57: {  	s19 =	sadd.s32 $0xFFFFFFFE, s17  }
0x58: {  	s20 =	smulhi.u32 $0xAAAAAAAB, s19  }
0x59: {  	_ =	swait.ge [sflag:s8], $0x200  }
0x5a: {  	s21 =	sand.u32 $0x1, s17;
	[sflag:s8] =	ssyncset.done $0x0;
	s20 =	sshrl.u32 s20, $0x1  }
0x5b: {  	s28 =	sshll.u32 s21, $0x9;
	[sflag:s8] =	ssyncadd.s32 $0xFFFFFE00;
	s20 =	smul.u32 $0x3, s20  }
0x5c: {  	v1 =	vld [tilespmem:s28+$0x600]  }
0x5d: {  	v3 =	vld [tilespmem:s28+$0x680];
	s20 =	ssub.s32 s19, s20  }
0x5e: {  	v6 =	vld [tilespmem:s28+$0x700];
	s20 =	sshll.u32 s20, $0x9  }
0x5f: {  	v2 =	vld [tilespmem:s20+$0x0]  }
0x60: {  	v4 =	vld [tilespmem:s20+$0x80]  }
0x61: {  	v5 =	vld [tilespmem:s20+$0x100]  }
0x62: {  	v7 =	vld [tilespmem:s20+$0x180];
	_ =	sdelay $0x1  }
0x63: {  	v8 =	vld [tilespmem:s28+$0x780]  }
0x64: {  	v2 =	vshll.u32 v2, $0x3;
	v4 =	vshll.u32 v4, $0x3  }
0x65: {  	v1 =	vshrl.u32 v1, v2;
	v2 =	vshrl.u32 v3, v4;
	v3 =	vshll.u32 v5, $0x3  }
0x66: {  	v21 =	vshll.u32 v7, $0x3;
	v2 =	vshll.u32 v2, $0x8;
	v3 =	vshrl.u32 v6, v3  }
0x67: {  	v1 =	vand.u32 $0xFF, v1;
	v2 =	vand.u32 $0xFF00, v2;
	v3 =	vshll.u32 v3, $0x10  }
0x68: {  	v1 =	vor.u32 v1, v2;
	v2 =	vand.u32 $0xFF0000, v3;
	v3 =	vshrl.u32 v8, v21  }
0x69: {  	v1 =	vor.u32 v2, v1;
	v2 =	vshll.u32 v3, $0x18  }
0x6a: {  	s21 =	sshll.u32 s21, $0x7;
	v1 =	vor.u32 v2, v1  }
0x6b: {  	[tilespmem:s21+$0xA00] =	vst v1  }
0x6c: {  	v1 =	vld [tilespmem:s28+$0x610]  }
0x6d: {  	v2 =	vld [tilespmem:s20+$0x10]  }
0x6e: {  	v3 =	vld [tilespmem:s28+$0x690]  }
0x6f: {  	v22 =	vld [tilespmem:s20+$0x90]  }
0x70: {  	v23 =	vld [tilespmem:s20+$0x110]  }
0x71: {  	v24 =	vld [tilespmem:s28+$0x710]  }
0x72: {  	v25 =	vld [tilespmem:s20+$0x190];
	_ =	sdelay $0x1  }
0x73: {  	v26 =	vld [tilespmem:s28+$0x790]  }
0x74: {  	v2 =	vshll.u32 v2, $0x3;
	v4 =	vshll.u32 v22, $0x3  }
0x75: {  	v1 =	vshrl.u32 v1, v2;
	v2 =	vshrl.u32 v3, v4;
	v3 =	vshll.u32 v23, $0x3  }
0x76: {  	v27 =	vshll.u32 v25, $0x3;
	v2 =	vshll.u32 v2, $0x8;
	v3 =	vshrl.u32 v24, v3  }
0x77: {  	v1 =	vand.u32 $0xFF, v1;
	v2 =	vand.u32 $0xFF00, v2;
	v3 =	vshll.u32 v3, $0x10  }
0x78: {  	v1 =	vor.u32 v1, v2;
	v2 =	vand.u32 $0xFF0000, v3;
	v3 =	vshrl.u32 v26, v27  }
0x79: {  	v1 =	vor.u32 v2, v1;
	v2 =	vshll.u32 v3, $0x18  }
0x7a: {  	v1 =	vor.u32 v2, v1  }
0x7b: {  	[tilespmem:s21+$0xA10] =	vst v1  }
0x7c: {  	v1 =	vld [tilespmem:s28+$0x620]  }
0x7d: {  	v2 =	vld [tilespmem:s20+$0x20]  }
0x7e: {  	v3 =	vld [tilespmem:s28+$0x6A0]  }
0x7f: {  	v28 =	vld [tilespmem:s20+$0xA0]  }
0x80: {  	v29 =	vld [tilespmem:s20+$0x120]  }
0x81: {  	v30 =	vld [tilespmem:s28+$0x720]  }
0x82: {  	v31 =	vld [tilespmem:s20+$0x1A0];
	_ =	sdelay $0x1  }
0x83: {  	v32 =	vld [tilespmem:s28+$0x7A0]  }
0x84: {  	v2 =	vshll.u32 v2, $0x3;
	v4 =	vshll.u32 v28, $0x3  }
0x85: {  	v1 =	vshrl.u32 v1, v2;
	v2 =	vshrl.u32 v3, v4;
	v3 =	vshll.u32 v29, $0x3  }
0x86: {  	v33 =	vshll.u32 v31, $0x3;
	v2 =	vshll.u32 v2, $0x8;
	v3 =	vshrl.u32 v30, v3  }
0x87: {  	v1 =	vand.u32 $0xFF, v1;
	v2 =	vand.u32 $0xFF00, v2;
	v3 =	vshll.u32 v3, $0x10  }
0x88: {  	v1 =	vor.u32 v1, v2;
	v2 =	vand.u32 $0xFF0000, v3;
	v3 =	vshrl.u32 v32, v33  }
0x89: {  	v1 =	vor.u32 v2, v1;
	v2 =	vshll.u32 v3, $0x18  }
0x8a: {  	v1 =	vor.u32 v2, v1  }
0x8b: {  	[tilespmem:s21+$0xA20] =	vst v1  }
0x8c: {  	v1 =	vld [tilespmem:s28+$0x630]  }
0x8d: {  	v2 =	vld [tilespmem:s20+$0x30]  }
0x8e: {  	v3 =	vld [tilespmem:s28+$0x6B0]  }
0x8f: {  	v34 =	vld [tilespmem:s20+$0xB0]  }
0x90: {  	v35 =	vld [tilespmem:s20+$0x130]  }
0x91: {  	v36 =	vld [tilespmem:s28+$0x730]  }
0x92: {  	v37 =	vld [tilespmem:s20+$0x1B0];
	_ =	sdelay $0x1  }
0x93: {  	v38 =	vld [tilespmem:s28+$0x7B0]  }
0x94: {  	v2 =	vshll.u32 v2, $0x3;
	v4 =	vshll.u32 v34, $0x3  }
0x95: {  	v1 =	vshrl.u32 v1, v2;
	v2 =	vshrl.u32 v3, v4;
	v3 =	vshll.u32 v35, $0x3  }
0x96: {  	v39 =	vshll.u32 v37, $0x3;
	v2 =	vshll.u32 v2, $0x8;
	v3 =	vshrl.u32 v36, v3  }
0x97: {  	v1 =	vand.u32 $0xFF, v1;
	v2 =	vand.u32 $0xFF00, v2;
	v3 =	vshll.u32 v3, $0x10  }
0x98: {  	v1 =	vor.u32 v1, v2;
	v2 =	vand.u32 $0xFF0000, v3;
	v3 =	vshrl.u32 v38, v39  }
0x99: {  	v1 =	vor.u32 v2, v1;
	v2 =	vshll.u32 v3, $0x18  }
0x9a: {  	v1 =	vor.u32 v2, v1  }
0x9b: {  	[tilespmem:s21+$0xA30] =	vst v1  }
0x9c: {  	v1 =	vld [tilespmem:s28+$0x640]  }
0x9d: {  	v2 =	vld [tilespmem:s20+$0x40]  }
0x9e: {  	v3 =	vld [tilespmem:s28+$0x6C0]  }
0x9f: {  	v40 =	vld [tilespmem:s20+$0xC0]  }
0xa0: {  	v41 =	vld [tilespmem:s20+$0x140]  }
0xa1: {  	v42 =	vld [tilespmem:s28+$0x740]  }
0xa2: {  	v43 =	vld [tilespmem:s20+$0x1C0];
	_ =	sdelay $0x1  }
0xa3: {  	v44 =	vld [tilespmem:s28+$0x7C0]  }
0xa4: {  	v2 =	vshll.u32 v2, $0x3;
	v4 =	vshll.u32 v40, $0x3  }
0xa5: {  	v1 =	vshrl.u32 v1, v2;
	v2 =	vshrl.u32 v3, v4;
	v3 =	vshll.u32 v41, $0x3  }
0xa6: {  	v45 =	vshll.u32 v43, $0x3;
	v2 =	vshll.u32 v2, $0x8;
	v3 =	vshrl.u32 v42, v3  }
0xa7: {  	v1 =	vand.u32 $0xFF, v1;
	v2 =	vand.u32 $0xFF00, v2;
	v3 =	vshll.u32 v3, $0x10  }
0xa8: {  	v1 =	vor.u32 v1, v2;
	v2 =	vand.u32 $0xFF0000, v3;
	v3 =	vshrl.u32 v44, v45  }
0xa9: {  	v1 =	vor.u32 v2, v1;
	v2 =	vshll.u32 v3, $0x18  }
0xaa: {  	v1 =	vor.u32 v2, v1  }
0xab: {  	[tilespmem:s21+$0xA40] =	vst v1  }
0xac: {  	v1 =	vld [tilespmem:s28+$0x650]  }
0xad: {  	v2 =	vld [tilespmem:s20+$0x50]  }
0xae: {  	v3 =	vld [tilespmem:s28+$0x6D0]  }
0xaf: {  	v46 =	vld [tilespmem:s20+$0xD0]  }
0xb0: {  	v47 =	vld [tilespmem:s20+$0x150]  }
0xb1: {  	v48 =	vld [tilespmem:s28+$0x750]  }
0xb2: {  	v49 =	vld [tilespmem:s20+$0x1D0];
	_ =	sdelay $0x1  }
0xb3: {  	v50 =	vld [tilespmem:s28+$0x7D0]  }
0xb4: {  	v2 =	vshll.u32 v2, $0x3;
	v4 =	vshll.u32 v46, $0x3  }
0xb5: {  	v1 =	vshrl.u32 v1, v2;
	v2 =	vshrl.u32 v3, v4;
	v3 =	vshll.u32 v47, $0x3  }
0xb6: {  	v51 =	vshll.u32 v49, $0x3;
	v2 =	vshll.u32 v2, $0x8;
	v3 =	vshrl.u32 v48, v3  }
0xb7: {  	v1 =	vand.u32 $0xFF, v1;
	v2 =	vand.u32 $0xFF00, v2;
	v3 =	vshll.u32 v3, $0x10  }
0xb8: {  	v1 =	vor.u32 v1, v2;
	v2 =	vand.u32 $0xFF0000, v3;
	v3 =	vshrl.u32 v50, v51  }
0xb9: {  	v1 =	vor.u32 v2, v1;
	v2 =	vshll.u32 v3, $0x18  }
0xba: {  	v1 =	vor.u32 v2, v1  }
0xbb: {  	[tilespmem:s21+$0xA50] =	vst v1  }
0xbc: {  	v1 =	vld [tilespmem:s28+$0x660]  }
0xbd: {  	v2 =	vld [tilespmem:s20+$0x60]  }
0xbe: {  	v3 =	vld [tilespmem:s28+$0x6E0]  }
0xbf: {  	v52 =	vld [tilespmem:s20+$0xE0]  }
0xc0: {  	v53 =	vld [tilespmem:s20+$0x160]  }
0xc1: {  	v54 =	vld [tilespmem:s28+$0x760]  }
0xc2: {  	v55 =	vld [tilespmem:s20+$0x1E0];
	_ =	sdelay $0x1  }
0xc3: {  	v56 =	vld [tilespmem:s28+$0x7E0]  }
0xc4: {  	v2 =	vshll.u32 v2, $0x3;
	v4 =	vshll.u32 v52, $0x3  }
0xc5: {  	v1 =	vshrl.u32 v1, v2;
	v2 =	vshrl.u32 v3, v4;
	v3 =	vshll.u32 v53, $0x3  }
0xc6: {  	v57 =	vshll.u32 v55, $0x3;
	v2 =	vshll.u32 v2, $0x8;
	v3 =	vshrl.u32 v54, v3  }
0xc7: {  	v1 =	vand.u32 $0xFF, v1;
	v2 =	vand.u32 $0xFF00, v2;
	v3 =	vshll.u32 v3, $0x10  }
0xc8: {  	v1 =	vor.u32 v1, v2;
	v2 =	vand.u32 $0xFF0000, v3;
	v3 =	vshrl.u32 v56, v57  }
0xc9: {  	v1 =	vor.u32 v2, v1;
	v2 =	vshll.u32 v3, $0x18  }
0xca: {  	v1 =	vor.u32 v2, v1  }
0xcb: {  	[tilespmem:s21+$0xA60] =	vst v1  }
0xcc: {  	v1 =	vld [tilespmem:s28+$0x670]  }
0xcd: {  	v2 =	vld [tilespmem:s20+$0x70]  }
0xce: {  	v3 =	vld [tilespmem:s28+$0x6F0]  }
0xcf: {  	v58 =	vld [tilespmem:s20+$0xF0]  }
0xd0: {  	v59 =	vld [tilespmem:s20+$0x170]  }
0xd1: {  	v60 =	vld [tilespmem:s28+$0x770]  }
0xd2: {  	v61 =	vld [tilespmem:s20+$0x1F0];
	_ =	sdelay $0x1  }
0xd3: {  	v62 =	vld [tilespmem:s28+$0x7F0]  }
0xd4: {  	v2 =	vshll.u32 v2, $0x3;
	v4 =	vshll.u32 v58, $0x3  }
0xd5: {  	v1 =	vshrl.u32 v1, v2;
	v2 =	vshrl.u32 v3, v4;
	v3 =	vshll.u32 v59, $0x3  }
0xd6: {  	v63 =	vshll.u32 v61, $0x3;
	v3 =	vshrl.u32 v60, v3;
	v2 =	vshll.u32 v2, $0x8  }
0xd7: {  	v1 =	vand.u32 $0xFF, v1;
	v2 =	vand.u32 $0xFF00, v2;
	v3 =	vshll.u32 v3, $0x10  }
.Ltmp5:
0xd8: {  	v1 =	vor.u32 v1, v2;
	v2 =	vshrl.u32 v62, v63;
	v3 =	vand.u32 $0xFF0000, v3;
	(pc) =	sbr.rel .LBB2_7-.Ltmp5, $4  }
0xd9: {  	v1 =	vor.u32 v3, v1;
	v2 =	vshll.u32 v2, $0x18  }
0xda: {  	s29 =	sshrl.u32 s18, $0x2;
	s30 =	sshrl.u32 s18, $0x5;
	v1 =	vor.u32 v2, v1  }
0xdb: {  	s18 =	sadd.s32 s30, s5;
	s31 =	sor.u32 $0xA00, s21;
	s19 =	sand.u32 $0x7, s29;
	[tilespmem:s21+$0xA70] =	vst v1  }
0xdc: {  	[hbm4b:s18+s19] =	stream.linear.scatter [tilespmem:s31], [sflag:$0x4], $0x80, $0x38;
	[tilespmem:$0xB00] =	vst v63  }
.LBB2_8:
0xdd: {  	_ =	sfence.sel $0x180000  }
0xde: {  	s2 =	simm.s32 $0x2;
	[bflag:$0x0] =	sbarrier.arrive $0xFFFF  }
0xdf: {  	s29 =	simm.s32 $0x3;
	[sflag:s2] =	ssyncpa.u1 $0x1  }
0xe0: {  	s30 =	simm.s32 $0x4;
	[sflag:s29] =	ssyncpa.u1 $0x1  }
0xe1: {  	s31 =	simm.s32 $0x1;
	[sflag:s30] =	ssyncpa.u1 $0x1  }
0xe2: {  	[sflag:s31] =	ssyncpa.u1 $0x1  }
0xe3: {  	p0 =	sne.s32 s0, $0x0;
	_ =	strace $0x9000004A  }
0xe4: {  	s0 =	sadd.s32 @!p0 $0x100000, s1;
	[bflag:$0x2] =	sbarrier.arrive $0xFFFF  }
0xe5: {  	[sflag:s0] =	ssyncadd.tile.s32 @!p0 $0x1;
	_ =	shalt  }
.Lfunc_end2:
_tile_overlayer_lowered:
.L_overlay_start_2:
0xe6: {  	(tag) =	ssettag $0x2  }
0xe7: {  	s0 =	rddreg [dreg:$0x0];
	s2 =	stileid.u32  }
0xe8: {  	s1 =	rddreg [dreg:$0x1];
	p0 =	sne.s32 s2, $0x0  }
0xe9: {  	s3 =	rddreg [dreg:$0x2];
	[bflag:$0x3] =	sbarrier.arrive $0xFFFF;
	s2 =	simm.s32 @!p0 $0x1C01  }
0xea: {  	[timem:s3], [sflag:s2] =	dma.local @!p0 [hbm:s0], s1  }
0xeb: {  	s0 =	simm.s32 @!p0 $0x1  }
0xec: {  	_ =	swait.ge @!p0 [sflag:s0], s1  }
0xed: {  	s1 =	ssub.s32 @!p0 $0x0, s1;
	[sflag:s0] =	ssyncset.done @!p0 $0x0  }
0xee: {  	[sflag:s0] =	ssyncadd.s32 @!p0 s1  }
0xef: {  	[bflag:$0x3] =	sbarrier.arrive $0xFFFF  }
0xf0: {  	_ =	shalt  }

// kernel: gather_offload_async_start.3
scs
__scs_entry_jumppad:
0x0: {  	(pc) =	sbr.rel $0x88, $3  }
0x1: {  	(tag) =	ssettag $0x0;
	lr =	simm.s32 $0x1  }
0x2: {  	[smem:$0x3F9E] =	sst lr;
	_ =	strace $0xD0000000  }
0x3: {  	_ = 	snop  }
0x4: {  	_ = 	snop  }
0x5: {  	_ = 	snop  }
0x6: {  	_ = 	snop  }
0x7: {  	_ = 	snop  }
__scs_overlays_trampoline_lowered:
0x8: {  	[smem:$0x3FAD] =	sst s0  }
0x9: {  	[smem:$0x3FAE] =	sst s1  }
0xa: {  	[smem:$0x3FAF] =	sst s2  }
0xb: {  	[smem:$0x3FB0] =	sst s3  }
0xc: {  	[smem:$0x3FB1] =	sst s4  }
0xd: {  	[smem:$0x3FB2] =	sst s5  }
0xe: {  	[smem:$0x3FB3] =	sst s6  }
0xf: {  	[smem:$0x3FB4] =	sst s7  }
0x10: {  	[smem:$0x3FB5] =	sst s8  }
0x11: {  	[smem:$0x3FB6] =	sst s9;
	s0 =	simm.s32 @!p0 $0x0  }
0x12: {  	s1 =	sld [smem:$0x3F9C];
	s0 =	simm.s32 @p0 $0x1  }
0x13: {  	[smem:$0x3FB7] =	sst s0;
	s0 =	simm.s32 @!p1 $0x0  }
0x14: {  	s2 =	sld [smem:$0x3F9B];
	s0 =	simm.s32 @p1 $0x1  }
0x15: {  	[smem:$0x3FB8] =	sst s0;
	s0 =	simm.s32 @!p2 $0x0  }
0x16: {  	s3 =	sld [smem:$0x3FDB];
	s0 =	simm.s32 @p2 $0x1  }
0x17: {  	s4 =	simm.s32 $0x1BF5;
	[smem:$0x3FBA] =	sst s0  }
0x18: {  	s0 =	sld [smem:$0x3F9D];
	_ =	swait.ge [sflag:s4], $0x0  }
0x19: {  	s7 =	sld [smem:$0x3F9E]  }
0x1a: {  	s8 =	sadd.s32 $0xFFFFE003, lr  }
0x1b: {  	s9 =	sadd.s32 $0xFFFFFEF7, lr;
	s5 =	simm.s32 $0xFFFFFFFF;
	p2 =	slt.u32 s8, $0xFFFFF086  }
0x1c: {  	p1 =	slt.u32 s9, $0xF7A;
	s5 =	simm.s32 @!p2 $0x0  }
0x1d: {  	s5 =	simm.s32 @p1 $0x1;
	p0 =	seq.s32 s7, s2  }
0x1e: {  	s7 =	smul.u32 @!p0 $0xF7A, s2;
	p2 =	seq.s32 @!p0 s5, $0x0  }
0x1f: {  	s9 =	smul.u32 $0xF7A, s1;
	s8 =	simm.s32 @!p0 $0x1BF5;
	p2 =	por !p2, p0  }
0x20: {  	[sflag:s8] =	ssyncset.s32 @!p0 $0xFFFFF086;
	s6 =	sadd.s32 @!p0 s3, s7;
	s7 =	simm.s32 @!p0 $0x108  }
0x21: {  	s3 =	sadd.s32 s3, s9;
	s6 =	sadd.s32 @!p0 $0x88, s6;
	s7 =	simm.s32 @p2 $0x1082  }
0x22: {  	[simem:s7], [sflag:s8] =	dma.local @!p0 [hbm:s6], $0xF7A  }
0x23: {  	s9 =	sor.u32 $0xD0000000, s2;
	s6 =	simm.s32 $0x108;
	_ =	swait.ge @!p0 [sflag:s8], $0x0  }
0x24: {  	s3 =	sadd.s32 $0x88, s3;
	s6 =	simm.s32 @!p1 $0x1082;
	[sflag:s4] =	ssyncset.s32 $0xFFFFF086  }
0x25: {  	[simem:s6], [sflag:s4] =	dma.local [hbm:s3], $0xF7A  }
0x26: {  	[smem:$0x3F9E] =	sst s1;
	(tag) =	ssettag s2;
	_ =	strace s9  }
0x27: {  	s1 =	sld [smem:$0x3FAE]  }
0x28: {  	s2 =	sld [smem:$0x3FAF]  }
0x29: {  	s4 =	sld [smem:$0x3FB1]  }
0x2a: {  	p0 =	seq.s32 s5, $0x0;
	s5 =	sld [smem:$0x3FB2]  }
0x2b: {  	s6 =	sld [smem:$0x3FB3]  }
0x2c: {  	s7 =	sld [smem:$0x3FB4]  }
0x2d: {  	s3 =	simm.s32 $0x108;
	s8 =	sld [smem:$0x3FB5]  }
0x2e: {  	s3 =	simm.s32 @!p0 $0x1082;
	s9 =	sld [smem:$0x3FB6]  }
0x2f: {  	lr =	sadd.s32 s0, s3;
	s0 =	sld [smem:$0x3FAD]  }
0x30: {  	s3 =	sld [smem:$0x3FB0]  }
0x31: {  	[smem:$0x3FB9] =	sst s10  }
0x32: {  	s10 =	sld [smem:$0x3FB7];
	_ =	sdelay $0x3  }
0x33: {  	p0 =	seq.s32 s10, $0x1;
	s10 =	sld [smem:$0x3FB9];
	_ =	sdelay $0x3  }
0x34: {  	[smem:$0x3FB9] =	sst s10  }
0x35: {  	s10 =	sld [smem:$0x3FB8];
	_ =	sdelay $0x3  }
0x36: {  	p1 =	seq.s32 s10, $0x1;
	s10 =	sld [smem:$0x3FB9];
	_ =	sdelay $0x3  }
0x37: {  	[smem:$0x3FB9] =	sst s10  }
0x38: {  	s10 =	sld [smem:$0x3FBA]  }
0x39: {  	_ = 	snop;
	(pc) =	sbr.ind lr, $3  }
0x3a: {  	_ = 	snop  }
0x3b: {  	_ = 	snop  }
0x3c: {  	p2 =	seq.s32 s10, $0x1;
	s10 =	sld [smem:$0x3FB9]  }
0x3d: {  	_ =	shalt  }
0x3e: {  	_ =	shalt  }
0x3f: {  	_ =	shalt  }
0x40: {  	_ =	shalt  }
0x41: {  	_ =	shalt  }
0x42: {  	_ =	shalt  }
0x43: {  	_ =	shalt  }
0x44: {  	_ =	shalt  }
0x45: {  	_ =	shalt  }
0x46: {  	_ =	shalt  }
0x47: {  	_ =	shalt  }
0x48: {  	_ =	shalt  }
0x49: {  	_ =	shalt  }
0x4a: {  	_ =	shalt  }
0x4b: {  	_ =	shalt  }
0x4c: {  	_ =	shalt  }
0x4d: {  	_ =	shalt  }
0x4e: {  	_ =	shalt  }
0x4f: {  	_ =	shalt  }
0x50: {  	_ =	shalt  }
0x51: {  	_ =	shalt  }
0x52: {  	_ =	shalt  }
0x53: {  	_ =	shalt  }
0x54: {  	_ =	shalt  }
0x55: {  	_ =	shalt  }
0x56: {  	_ =	shalt  }
0x57: {  	_ =	shalt  }
0x58: {  	_ =	shalt  }
0x59: {  	_ =	shalt  }
0x5a: {  	_ =	shalt  }
0x5b: {  	_ =	shalt  }
0x5c: {  	_ =	shalt  }
0x5d: {  	_ =	shalt  }
0x5e: {  	_ =	shalt  }
0x5f: {  	_ =	shalt  }
0x60: {  	_ =	shalt  }
0x61: {  	_ =	shalt  }
0x62: {  	_ =	shalt  }
0x63: {  	_ =	shalt  }
0x64: {  	_ =	shalt  }
0x65: {  	_ =	shalt  }
0x66: {  	_ =	shalt  }
0x67: {  	_ =	shalt  }
0x68: {  	_ =	shalt  }
0x69: {  	_ =	shalt  }
0x6a: {  	_ =	shalt  }
0x6b: {  	_ =	shalt  }
0x6c: {  	_ =	shalt  }
0x6d: {  	_ =	shalt  }
0x6e: {  	_ =	shalt  }
0x6f: {  	_ =	shalt  }
0x70: {  	_ =	shalt  }
0x71: {  	_ =	shalt  }
0x72: {  	_ =	shalt  }
0x73: {  	_ =	shalt  }
0x74: {  	_ =	shalt  }
0x75: {  	_ =	shalt  }
0x76: {  	_ =	shalt  }
0x77: {  	_ =	shalt  }
0x78: {  	_ =	shalt  }
0x79: {  	_ =	shalt  }
0x7a: {  	_ =	shalt  }
0x7b: {  	_ =	shalt  }
0x7c: {  	_ =	shalt  }
0x7d: {  	_ =	shalt  }
0x7e: {  	_ =	shalt  }
0x7f: {  	_ =	shalt  }
0x80: {  	_ =	shalt  }
0x81: {  	_ =	shalt  }
0x82: {  	_ =	shalt  }
0x83: {  	_ =	shalt  }
0x84: {  	_ =	shalt  }
0x85: {  	_ =	shalt  }
0x86: {  	_ =	shalt  }
0x87: {  	_ =	shalt  }
.Lfunc_end0:
.L_simem_size_0:
called_computation.3_lowered:
.L_overlay_start_0:
0x88: {  	s2 =	sld [smem:$0x3FD9]  }
0x89: {  	s3 =	sld [smem:$0x3FFE];
	_ =	sdelay $0x1  }
0x8a: {  	s1 =	srdreg.scid  }
0x8b: {  	s0 =	sand.u32 $0x1, s1  }
0x8c: {  	s15 =	sshll.u32 s0, $0xA;
	s2 =	sadd.s32 s3, s2  }
0x8d: {  	s2 =	sadd.s32 s2, s15  }
0x8e: {  	[smem:$0x3FC5] =	sst s2  }
0x8f: {  	_ = 	snop  }
0x90: {  	s2 =	sld [smem:$0x3FD0];
	_ =	sdelay $0x2  }
0x91: {  	s4 =	simm.s32 $0xB;
	s16 =	simm.s32 $0x10  }
0x92: {  	[smem:s16], [sflag:s4] =	dma.local [hbm:s2], $0x1  }
0x93: {  	_ =	swait.eq [sflag:s4], $0x1  }
0x94: {  	[sflag:s4] =	ssyncset.done $0x0  }
0x95: {  	s17 =	sld [smem:$0x10];
	[sflag:s4] =	ssyncadd.s32 $0xFFFFFFFF  }
0x96: {  	s18 =	sld [smem:$0x12];
	(tm) =	ssettm $0x1  }
0x97: {  	s19 =	sld [smem:$0x3FFB];
	_ =	sdelay $0x3  }
0x98: {  	_ =	strace s19  }
0x99: {  	s2 =	sld [smem:$0x3FFC];
	_ =	sdelay $0x3  }
0x9a: {  	_ =	strace s2  }
0x9b: {  	s2 =	sld [smem:$0x3FFD];
	_ =	sdelay $0x3  }
0x9c: {  	_ =	strace s2  }
0x9d: {  	_ =	strace $0x8FFFFFFF  }
0x9e: {  	s20 =	sld [smem:$0x3FDB];
	_ =	sdelay $0x1  }
0x9f: {  	s5 =	simm.s32 $_scs_section_size  }
0xa0: {  	s6 =	simm.s32 $_size__tile_overlayer_lowered;
	s7 =	simm.s32 $_tile_overlayer_lowered  }
0xa1: {  	s8 =	simm.s32 $0x1BFF;
	s21 =	sshll.u32 s7, $0x1;
	s5 =	sadd.s32 s5, s20  }
0xa2: {  	s22 =	simm.s32 $0x0;
	s6 =	sshll.u32 s6, $0x1;
	s7 =	sadd.s32 s21, s5  }
0xa3: {  	[timem:s22], [sflag:s8] =	dma.local [hbm:s7], s6  }
0xa4: {  	_ =	swait.ge [sflag:s8], s6  }
0xa5: {  	s6 =	ssub.s32 $0x0, s6;
	[sflag:s8] =	ssyncset.done $0x0  }
0xa6: {  	[sflag:s8] =	ssyncadd.s32 s6;
	_ =	sdelay $0x1  }
0xa7: {  	s23 =	simm.s32 $0x1B8B  }
0xa8: {  	_ =	swait.ge [sflag:s23], $0x1  }
0xa9: {  	[sflag:s23] =	ssyncset.done $0x0  }
0xaa: {  	[sflag:s23] =	ssyncadd.s32 $0xFFFFFFFF  }
0xab: {  	s6 =	sld [smem:$0x0]  }
0xac: {  	s7 =	sand.u32 $0xFFFFFFFE, s1  }
0xad: {  	p0 =	sne.s32 s1, s7  }
0xae: {  	s7 =	sshll.u32 @p0 s7, $0xE  }
0xaf: {  	s7 =	sadd.s32 @p0 $0x11B8D, s7;
	s8 =	sshll.u32 @p0 s6, $0x11  }
0xb0: {  	s7 =	sor.u32 @p0 s8, s7  }
0xb1: {  	[sflag:s7] =	ssyncadd.remote.s32 @p0 $0x1;
	_ =	sdelay $0x1  }
0xb2: {  	s7 =	simm.s32 @p0 $0x1B8D  }
0xb3: {  	_ =	swait.eq @p0 [sflag:s7], $0x1  }
0xb4: {  	[sflag:s7] =	ssyncadd.s32 @p0 $0xFFFFFFFF  }
0xb5: {  	s8 =	sshll.u32 @!p0 s1, $0xE  }
0xb6: {  	s8 =	sor.u32 @!p0 $0x4000, s8;
	s7 =	simm.s32 @!p0 $0x1B8D  }
0xb7: {  	s6 =	sshll.u32 @!p0 s6, $0x11;
	s8 =	sadd.s32 @!p0 $0x11B8D, s8;
	_ =	swait.eq @!p0 [sflag:s7], $0x1  }
0xb8: {  	s6 =	sor.u32 @!p0 s6, s8;
	[sflag:s7] =	ssyncadd.s32 @!p0 $0xFFFFFFFF  }
0xb9: {  	s25 =	simm.s32 $0x1B8E;
	s24 =	sld [smem:$0x3FFE];
	[sflag:s6] =	ssyncadd.remote.s32 @!p0 $0x1  }
0xba: {  	s26 =	simm.s32 $execute0_lowered;
	[smem:$0x3FD2] =	sst s25  }
0xbb: {  	s7 =	sshll.u32 s26, $0x1;
	_ =	strace $0x8000004C;
	[dreg:$0x1] =	wrdreg $0xFFFFFFFF  }
0xbc: {  	s28 =	simm.s32 $_size_execute0_lowered;
	s5 =	sadd.s32 s5, s7;
	[dreg:$0x0] =	wrdreg $0x0  }
0xbd: {  	s7 =	sshll.u32 s28, $0x1;
	[dreg:$0x2] =	wrdreg s5  }
0xbe: {  	[dreg:$0x3] =	wrdreg s7  }
0xbf: {  	[dreg:$0x4] =	wrdreg $0xC0  }
0xc0: {  	_ =	task [dreg:s22], $0x5FFFF  }
0xc1: {  	[dreg:$0x1] =	wrdreg $0xFFFFFFFF  }
0xc2: {  	[dreg:$0x0] =	wrdreg $0x60  }
0xc3: {  	[dreg:$0x2] =	wrdreg s24  }
0xc4: {  	[dreg:$0x3] =	wrdreg s17  }
0xc5: {  	[dreg:$0x4] =	wrdreg s18  }
0xc6: {  	[dreg:$0x5] =	wrdreg $0xA  }
0xc7: {  	_ =	task.clear_ibuf [dreg:s22], $0x6FFFF;
	_ =	strace $0x9000004C  }
0xc8: {  	s29 =	simm.s32 $0xA;
	_ =	strace $0x8000004E  }
0xc9: {  	_ =	swait.ge [sflag:s29], $0x1  }
0xca: {  	[sflag:s29] =	ssyncadd.s32 $0xFFFFFFFF  }
0xcb: {  	_ =	strace $0x9000004E  }
0xcc: {  	_ =	sfence  }
0xcd: {  	s30 =	sld [smem:$0x0];
	_ =	sdelay $0x2  }
0xce: {  	s31 =	sshll.u32 s1, $0xD;
	s1 =	sshrl.u32 s1, $0x2  }
0xcf: {  	s4 =	sand.u32 $0x4000, s31;
	s1 =	sadd.s32 s1, s30  }
0xd0: {  	s0 =	sor.u32 s4, s0;
	s1 =	sshll.u32 s1, $0x11  }
0xd1: {  	s0 =	sor.u32 s1, s0  }
0xd2: {  	s0 =	sadd.s32 $0x8F2B, s0  }
0xd3: {  	[sflag:s0] =	ssyncadd.remote.s32 $0x1  }
0xd4: {  	_ =	sfence.sel $0xFFFF  }
0xd5: {  	[dreg:$0x0] =	wrdreg $0xFFFFFFFF;
	(pc) =	sbr.abs _section_cstart, $3  }
0xd6: {  	[dreg:$0x1] =	wrdreg $0xFFFFFFFF  }
0xd7: {  	_ =	task.clear_ibuf [dreg:s22], $0x2FFFF;
	_ =	strace $0x9FFFFFFF  }
0xd8: {  	(tm) =	ssettm $0x7FFFFFFF  }
0xd9: {  	_ =	shalt  }
tec
execute0_lowered:
.L_overlay_start_1:
0x0: {  	(tag) =	ssettag $0x1  }
0x1: {  	s5 =	rddreg [dreg:$0x0]  }
0x2: {  	s1 =	srdreg.scid;
	s2 =	rddreg [dreg:$0x1]  }
0x3: {  	s0 =	stileid.u32;
	s3 =	rddreg [dreg:$0x2]  }
0x4: {  	s9 =	simm.s32 $0x1;
	s10 =	simm.s32 $0x3;
	s1 =	sshll.u32 s1, $0x6  }
0x5: {  	s13 =	simm.s32 $0x0;
	s4 =	sshll.u32 s0, $0x7;
	s6 =	sand.u32 $0x40, s1  }
0x6: {  	s12 =	simm.s32 $0x0;
	s5 =	sadd.s32 $0x1E00, s5;
	s4 =	sor.u32 s4, s6  }
0x7: {  	s1 =	rddreg [dreg:$0x3];
	_ =	strace $0x8000004D;
	s8 =	ssub.s32 $0x1000, s4  }
.Ltmp0:
0x8: {  	s6 =	simm.s32 $0x1;
	s7 =	sand.u32 $0x7C0, s8;
	(pc) =	sbr.rel .LBB2_1-.Ltmp0, $4  }
0x9: {  	[sflag:s6] =	ssyncpa.u1 $0x0;
	s11 =	smov.u32 s4;
	p0 =	sne.s32 s7, $0x0  }
0xa: {  	s8 =	sshrl.u32 s8, $0xB;
	s7 =	simm.s32 $0x2;
	s9 =	simm.s32 @!p0 $0x0  }
0xb: {  	[sflag:s7] =	ssyncpa.u1 $0x0;
	p0 =	por $0x0, $0x0;
	s8 =	sadd.s32 s9, s8  }
0xc: {  	vm0 =	vmmov $0xffff;
	[sflag:s10] =	ssyncpa.u1 $0x0;
	s10 =	simm.s32 $0x0;
	s9 =	sadd.s32 $0x1, s8  }
.LBB2_4:
0xd: {  	v3 =	vand.u32 $0x7, v0;
	v62 =	vshrl.u32 v0, $0x3  }
0xe: {  	v3 =	vsel vm1, $0xFFFFFFFF, v3;
	v0 =	vand.u32 $0x7FFF, v62  }
0xf: {  	v0 =	vsel vm1, $0xFFFFFFFF, v0;
	v4 =	vshrl.u32 v3, $0x3  }
0x10: {  	v4 =	vmul.u32 $0x27800, v4;
	v5 =	vshll.u32 v0, $0x3  }
0x11: {  	v3 =	vshll.u32 v3, $0x7;
	v5 =	vand.u32 $0xFFFFFC00, v5  }
0x12: {  	v1 =	vor.u32 v1, v2;
	v3 =	vand.u32 $0x380, v3;
	v63 =	vadd.s32 v4, v5  }
0x13: {  	v0 =	vand.u32 $0x7F, v0;
	v2 =	vor.u32 v3, v63  }
0x14: {  	v0 =	vor.u32 v0, v2;
	_ =	sdelay $0x1  }
0x15: {  	(ifvalue) =	ssetifvalue $0x7FFFFFFF;
	s15 =	sadd.s32 $0x10, s15  }
0x16: {  	[tilespmem:s15], [sflag:$0x1] =	stream.indirect_vreg.gather [hbm4b:s5+s10], $0x1, v1, vm0, $0x4038;
	[tilespmem:$0x100] =	vst v63  }
0x17: {  	(ifvalue) =	ssetifvalue $0x7FFFFFFF;
	s15 =	sadd.s32 $0x10, s15  }
0x18: {  	[tilespmem:s15], [sflag:$0x1] =	stream.indirect_vreg.gather [hbm4b:s5+s10], $0x1, v0, vm0, $0x4038;
	[tilespmem:$0x100] =	vst v63  }
0x19: {  	_ =	swait.ge [sflag:s6], $0x40  }
0x1a: {  	s30 =	sshrl.u32 s13, $0x3;
	[sflag:s6] =	ssyncset.done $0x0  }
0x1b: {  	s31 =	sand.u32 $0x7, s13;
	s15 =	sadd.s32 s3, s30;
	[sflag:s6] =	ssyncadd.s32 $0xFFFFFFC0  }
0x1c: {  	[hbm4b:s15+s31] =	stream.linear.scatter [tilespmem:s14], [sflag:$0x3], $0x40, $0x38;
	[tilespmem:$0x100] =	vst v63  }
.LBB2_5:
0x1d: {  	s15 =	sadd.s32 $0x800, s11  }
0x1e: {  	p2 =	sgt.s32 s15, $0xFFF  }
0x1f: {  	s15 =	smov.u32 @p2 s4;
	p2 =	sne.s32 s12, s9  }
.Ltmp1:
0x20: {  	p1 =	slt.u32 s12, $0x2;
	(pc) =	sbr.rel @!p2 .LBB2_6-.Ltmp1, $4  }
0x21: {  	s14 =	simm.s32 @!p1 $0x3  }
0x22: {  	s16 =	sadd.s32 $0x1, s12;
	_ =	swait.ge @!p1 [sflag:s14], $0x40  }
0x23: {  	s13 =	smov.u32 s11;
	p0 =	por !p0, !p0;
	[sflag:s14] =	ssyncset.done @!p1 $0x0  }
0x24: {  	s12 =	smov.u32 s16;
	s11 =	smov.u32 s15;
	[sflag:s14] =	ssyncadd.s32 @!p1 $0xFFFFFFC0  }
.LBB2_1:
0x25: {  	p1 =	sge.u32 s12, s8  }
0x26: {  	s14 =	sxor.u32 @!p1 $0xFFFFFFFF, s12  }
0x27: {  	s31 =	sadd.s32 $0xFFFFFFFF, s12;
	s15 =	sshrl.u32 @!p1 s11, $0x3;
	s14 =	sshll.u32 @!p1 s14, $0x6  }
0x28: {  	s16 =	sand.u32 @!p1 $0x7, s11;
	s15 =	sadd.s32 @!p1 s2, s15;
	s14 =	sand.u32 @!p1 $0x40, s14  }
0x29: {  	[tilespmem:s14], [sflag:$0x2] =	stream.linear.gather @!p1 [hbm4b:s15+s16], $0x40, $0x38;
	[tilespmem:$0x100] =	vst v63  }
0x2a: {  	p1 =	sge.u32 s31, s8  }
.Ltmp2:
0x2b: {  	_ = 	snop;
	(pc) =	sbr.rel @p1 .LBB2_5-.Ltmp2, $1  }
0x2c: {  	_ =	sdelay $0x3  }
0x2d: {  	s14 =	simm.s32 $0x1  }
0x2e: {  	_ =	swait.ge [sflag:s7], $0x40;
	s14 =	simm.s32 @!p0 $0x0  }
0x2f: {  	[sflag:s7] =	ssyncset.done $0x0;
	s14 =	sshll.u32 s14, $0x6  }
0x30: {  	[sflag:s7] =	ssyncadd.s32 $0xFFFFFFC0;
	(ifvalue) =	ssetifvalue $0x7FFFFFFF;
	v0 =	vld.msk [tilespmem:s14+$0x0 ss:$0x1], $0xffff;
	_ =	sdelay $0x2  }
0x31: {  	s15 =	sadd.s32 $0x10, s14  }
0x32: {  	v3 =	vld.msk [tilespmem:s15+$0x0 ss:$0x1], $0xffff  }
0x33: {  	vm1 =	veq.s32 v0, $0x80000000;
	v1 =	vand.u32 $0x7, v0;
	v0 =	vshrl.u32 v0, $0x3  }
0x34: {  	v1 =	vsel vm1, $0xFFFFFFFF, v1;
	v0 =	vand.u32 $0x7FFF, v0  }
0x35: {  	v0 =	vsel vm1, $0xFFFFFFFF, v0;
	v2 =	vshrl.u32 v1, $0x3  }
0x36: {  	v2 =	vmul.u32 $0x27800, v2;
	v4 =	vshll.u32 v0, $0x3  }
0x37: {  	v1 =	vshll.u32 v1, $0x7;
	vm1 =	veq.s32 v3, $0x80000000;
	v4 =	vand.u32 $0xFFFFFC00, v4  }
0x38: {  	v1 =	vand.u32 $0x380, v1;
	v0 =	vand.u32 $0x7F, v0;
	v2 =	vadd.s32 v2, v4  }
0x39: {  	s17 =	sadd.s32 $0x10, s15;
	v1 =	vor.u32 v1, v2;
	v2 =	vand.u32 $0x7, v3;
	v3 =	vshrl.u32 v3, $0x3  }
0x3a: {  	v1 =	vor.u32 v0, v1;
	v0 =	vld.msk [tilespmem:s17+$0x0 ss:$0x1], $0xffff;
	v2 =	vsel vm1, $0xFFFFFFFF, v2;
	v3 =	vand.u32 $0x7FFF, v3  }
0x3b: {  	v3 =	vsel vm1, $0xFFFFFFFF, v3;
	v63 =	vshrl.u32 v2, $0x3  }
0x3c: {  	s31 =	sshll.u32 s12, $0x6;
	v4 =	vmul.u32 $0x27800, v63;
	v5 =	vshll.u32 v3, $0x3  }
0x3d: {  	s16 =	simm.s32 $0x20;
	s15 =	sor.u32 $0x80, s14;
	s14 =	sand.u32 $0x40, s31;
	v2 =	vshll.u32 v2, $0x7;
	v5 =	vand.u32 $0xFFFFFC00, v5  }
0x3e: {  	s14 =	sor.u32 $0x80, s14;
	(ifvalue) =	ssetifvalue $0x7FFFFFFF;
	s17 =	sadd.s32 $0x10, s17;
	v2 =	vand.u32 $0x380, v2;
	v4 =	vadd.s32 v4, v5  }
0x3f: {  	[tilespmem:s15], [sflag:$0x1] =	stream.indirect_vreg.gather [hbm4b:s5+s10], $0x1, v1, vm0, $0x4038;
	vm1 =	veq.s32 v0, $0x80000000;
	v1 =	vand.u32 $0x7F, v3;
	v2 =	vor.u32 v2, v4;
	[tilespmem:$0x100] =	vst v63  }
.LBB2_3:
0x40: {  	v3 =	vand.u32 $0x7, v0;
	v4 =	vshrl.u32 v0, $0x3;
	v0 =	vld.msk [tilespmem:s17+$0x0 ss:$0x1], $0xffff;
	v1 =	vor.u32 v1, v2;
	s16 =	sadd.s32 $0x10, s16  }
0x41: {  	v2 =	vsel vm1, $0xFFFFFFFF, v3;
	v3 =	vand.u32 $0x7FFF, v4;
	p1 =	slt.u32 s16, $0x30  }
.Ltmp3:
0x42: {  	v3 =	vsel vm1, $0xFFFFFFFF, v3;
	v4 =	vshrl.u32 v2, $0x3;
	(pc) =	sbr.rel @p1 .LBB2_3-.Ltmp3, $4  }
0x43: {  	v4 =	vmul.u32 $0x27800, v4;
	v5 =	vshll.u32 v3, $0x3  }
0x44: {  	s15 =	sadd.s32 $0x10, s15;
	v2 =	vshll.u32 v2, $0x7;
	v5 =	vand.u32 $0xFFFFFC00, v5;
	(ifvalue) =	ssetifvalue $0x7FFFFFFF  }
0x45: {  	v2 =	vand.u32 $0x380, v2;
	v4 =	vadd.s32 v4, v5;
	[tilespmem:s15], [sflag:$0x1] =	stream.indirect_vreg.gather [hbm4b:s5+s10], $0x1, v1, vm0, $0x4038;
	[tilespmem:$0x100] =	vst v63  }
0x46: {  	s17 =	sadd.s32 $0x10, s17;
	vm1 =	veq.s32 v0, $0x80000000;
	v1 =	vand.u32 $0x7F, v3;
	v2 =	vor.u32 v2, v4  }
.Ltmp4:
0x47: {  	_ = 	snop;
	(pc) =	sbr.rel .LBB2_4-.Ltmp4, $1  }
0x48: {  	_ =	sdelay $0x3  }
.LBB2_6:
0x49: {  	_ =	sfence.sel $0x180000  }
0x4a: {  	s2 =	simm.s32 $0x2;
	[bflag:$0x0] =	sbarrier.arrive $0xFFFF  }
0x4b: {  	s30 =	simm.s32 $0x3;
	[sflag:s2] =	ssyncpa.u1 $0x1  }
0x4c: {  	s31 =	simm.s32 $0x1;
	[sflag:s30] =	ssyncpa.u1 $0x1  }
0x4d: {  	[sflag:s31] =	ssyncpa.u1 $0x1  }
0x4e: {  	p0 =	sne.s32 s0, $0x0;
	_ =	strace $0x9000004D  }
0x4f: {  	s0 =	sadd.s32 @!p0 $0x100000, s1;
	[bflag:$0x2] =	sbarrier.arrive $0xFFFF  }
0x50: {  	[sflag:s0] =	ssyncadd.tile.s32 @!p0 $0x1;
	_ =	shalt  }
.Lfunc_end2:
_tile_overlayer_lowered:
.L_overlay_start_2:
0x51: {  	(tag) =	ssettag $0x2  }
0x52: {  	s0 =	rddreg [dreg:$0x0];
	s2 =	stileid.u32  }
0x53: {  	s1 =	rddreg [dreg:$0x1];
	p0 =	sne.s32 s2, $0x0  }
0x54: {  	s3 =	rddreg [dreg:$0x2];
	[bflag:$0x3] =	sbarrier.arrive $0xFFFF;
	s2 =	simm.s32 @!p0 $0x1C01  }
0x55: {  	[timem:s3], [sflag:s2] =	dma.local @!p0 [hbm:s0], s1  }
0x56: {  	s0 =	simm.s32 @!p0 $0x1  }
0x57: {  	_ =	swait.ge @!p0 [sflag:s0], s1  }
0x58: {  	s1 =	ssub.s32 @!p0 $0x0, s1;
	[sflag:s0] =	ssyncset.done @!p0 $0x0  }
0x59: {  	[sflag:s0] =	ssyncadd.s32 @!p0 s1  }
0x5a: {  	[bflag:$0x3] =	sbarrier.arrive $0xFFFF  }
0x5b: {  	_ =	shalt  }

// kernel: gather_offload_async_start
scs
__scs_entry_jumppad:
0x0: {  	(pc) =	sbr.rel $0x88, $3  }
0x1: {  	(tag) =	ssettag $0x0;
	lr =	simm.s32 $0x1  }
0x2: {  	[smem:$0x3F9E] =	sst lr;
	_ =	strace $0xD0000000  }
0x3: {  	_ = 	snop  }
0x4: {  	_ = 	snop  }
0x5: {  	_ = 	snop  }
0x6: {  	_ = 	snop  }
0x7: {  	_ = 	snop  }
__scs_overlays_trampoline_lowered:
0x8: {  	[smem:$0x3FAD] =	sst s0  }
0x9: {  	[smem:$0x3FAE] =	sst s1  }
0xa: {  	[smem:$0x3FAF] =	sst s2  }
0xb: {  	[smem:$0x3FB0] =	sst s3  }
0xc: {  	[smem:$0x3FB1] =	sst s4  }
0xd: {  	[smem:$0x3FB2] =	sst s5  }
0xe: {  	[smem:$0x3FB3] =	sst s6  }
0xf: {  	[smem:$0x3FB4] =	sst s7  }
0x10: {  	[smem:$0x3FB5] =	sst s8  }
0x11: {  	[smem:$0x3FB6] =	sst s9;
	s0 =	simm.s32 @!p0 $0x0  }
0x12: {  	s1 =	sld [smem:$0x3F9C];
	s0 =	simm.s32 @p0 $0x1  }
0x13: {  	[smem:$0x3FB7] =	sst s0;
	s0 =	simm.s32 @!p1 $0x0  }
0x14: {  	s2 =	sld [smem:$0x3F9B];
	s0 =	simm.s32 @p1 $0x1  }
0x15: {  	[smem:$0x3FB8] =	sst s0;
	s0 =	simm.s32 @!p2 $0x0  }
0x16: {  	s3 =	sld [smem:$0x3FDB];
	s0 =	simm.s32 @p2 $0x1  }
0x17: {  	s4 =	simm.s32 $0x1BF5;
	[smem:$0x3FBA] =	sst s0  }
0x18: {  	s0 =	sld [smem:$0x3F9D];
	_ =	swait.ge [sflag:s4], $0x0  }
0x19: {  	s7 =	sld [smem:$0x3F9E]  }
0x1a: {  	s8 =	sadd.s32 $0xFFFFE003, lr  }
0x1b: {  	s9 =	sadd.s32 $0xFFFFFEF7, lr;
	s5 =	simm.s32 $0xFFFFFFFF;
	p2 =	slt.u32 s8, $0xFFFFF086  }
0x1c: {  	p1 =	slt.u32 s9, $0xF7A;
	s5 =	simm.s32 @!p2 $0x0  }
0x1d: {  	s5 =	simm.s32 @p1 $0x1;
	p0 =	seq.s32 s7, s2  }
0x1e: {  	s7 =	smul.u32 @!p0 $0xF7A, s2;
	p2 =	seq.s32 @!p0 s5, $0x0  }
0x1f: {  	s9 =	smul.u32 $0xF7A, s1;
	s8 =	simm.s32 @!p0 $0x1BF5;
	p2 =	por !p2, p0  }
0x20: {  	[sflag:s8] =	ssyncset.s32 @!p0 $0xFFFFF086;
	s6 =	sadd.s32 @!p0 s3, s7;
	s7 =	simm.s32 @!p0 $0x108  }
0x21: {  	s3 =	sadd.s32 s3, s9;
	s6 =	sadd.s32 @!p0 $0x88, s6;
	s7 =	simm.s32 @p2 $0x1082  }
0x22: {  	[simem:s7], [sflag:s8] =	dma.local @!p0 [hbm:s6], $0xF7A  }
0x23: {  	s9 =	sor.u32 $0xD0000000, s2;
	s6 =	simm.s32 $0x108;
	_ =	swait.ge @!p0 [sflag:s8], $0x0  }
0x24: {  	s3 =	sadd.s32 $0x88, s3;
	s6 =	simm.s32 @!p1 $0x1082;
	[sflag:s4] =	ssyncset.s32 $0xFFFFF086  }
0x25: {  	[simem:s6], [sflag:s4] =	dma.local [hbm:s3], $0xF7A  }
0x26: {  	[smem:$0x3F9E] =	sst s1;
	(tag) =	ssettag s2;
	_ =	strace s9  }
0x27: {  	s1 =	sld [smem:$0x3FAE]  }
0x28: {  	s2 =	sld [smem:$0x3FAF]  }
0x29: {  	s4 =	sld [smem:$0x3FB1]  }
0x2a: {  	p0 =	seq.s32 s5, $0x0;
	s5 =	sld [smem:$0x3FB2]  }
0x2b: {  	s6 =	sld [smem:$0x3FB3]  }
0x2c: {  	s7 =	sld [smem:$0x3FB4]  }
0x2d: {  	s3 =	simm.s32 $0x108;
	s8 =	sld [smem:$0x3FB5]  }
0x2e: {  	s3 =	simm.s32 @!p0 $0x1082;
	s9 =	sld [smem:$0x3FB6]  }
0x2f: {  	lr =	sadd.s32 s0, s3;
	s0 =	sld [smem:$0x3FAD]  }
0x30: {  	s3 =	sld [smem:$0x3FB0]  }
0x31: {  	[smem:$0x3FB9] =	sst s10  }
0x32: {  	s10 =	sld [smem:$0x3FB7];
	_ =	sdelay $0x3  }
0x33: {  	p0 =	seq.s32 s10, $0x1;
	s10 =	sld [smem:$0x3FB9];
	_ =	sdelay $0x3  }
0x34: {  	[smem:$0x3FB9] =	sst s10  }
0x35: {  	s10 =	sld [smem:$0x3FB8];
	_ =	sdelay $0x3  }
0x36: {  	p1 =	seq.s32 s10, $0x1;
	s10 =	sld [smem:$0x3FB9];
	_ =	sdelay $0x3  }
0x37: {  	[smem:$0x3FB9] =	sst s10  }
0x38: {  	s10 =	sld [smem:$0x3FBA]  }
0x39: {  	_ = 	snop;
	(pc) =	sbr.ind lr, $3  }
0x3a: {  	_ = 	snop  }
0x3b: {  	_ = 	snop  }
0x3c: {  	p2 =	seq.s32 s10, $0x1;
	s10 =	sld [smem:$0x3FB9]  }
0x3d: {  	_ =	shalt  }
0x3e: {  	_ =	shalt  }
0x3f: {  	_ =	shalt  }
0x40: {  	_ =	shalt  }
0x41: {  	_ =	shalt  }
0x42: {  	_ =	shalt  }
0x43: {  	_ =	shalt  }
0x44: {  	_ =	shalt  }
0x45: {  	_ =	shalt  }
0x46: {  	_ =	shalt  }
0x47: {  	_ =	shalt  }
0x48: {  	_ =	shalt  }
0x49: {  	_ =	shalt  }
0x4a: {  	_ =	shalt  }
0x4b: {  	_ =	shalt  }
0x4c: {  	_ =	shalt  }
0x4d: {  	_ =	shalt  }
0x4e: {  	_ =	shalt  }
0x4f: {  	_ =	shalt  }
0x50: {  	_ =	shalt  }
0x51: {  	_ =	shalt  }
0x52: {  	_ =	shalt  }
0x53: {  	_ =	shalt  }
0x54: {  	_ =	shalt  }
0x55: {  	_ =	shalt  }
0x56: {  	_ =	shalt  }
0x57: {  	_ =	shalt  }
0x58: {  	_ =	shalt  }
0x59: {  	_ =	shalt  }
0x5a: {  	_ =	shalt  }
0x5b: {  	_ =	shalt  }
0x5c: {  	_ =	shalt  }
0x5d: {  	_ =	shalt  }
0x5e: {  	_ =	shalt  }
0x5f: {  	_ =	shalt  }
0x60: {  	_ =	shalt  }
0x61: {  	_ =	shalt  }
0x62: {  	_ =	shalt  }
0x63: {  	_ =	shalt  }
0x64: {  	_ =	shalt  }
0x65: {  	_ =	shalt  }
0x66: {  	_ =	shalt  }
0x67: {  	_ =	shalt  }
0x68: {  	_ =	shalt  }
0x69: {  	_ =	shalt  }
0x6a: {  	_ =	shalt  }
0x6b: {  	_ =	shalt  }
0x6c: {  	_ =	shalt  }
0x6d: {  	_ =	shalt  }
0x6e: {  	_ =	shalt  }
0x6f: {  	_ =	shalt  }
0x70: {  	_ =	shalt  }
0x71: {  	_ =	shalt  }
0x72: {  	_ =	shalt  }
0x73: {  	_ =	shalt  }
0x74: {  	_ =	shalt  }
0x75: {  	_ =	shalt  }
0x76: {  	_ =	shalt  }
0x77: {  	_ =	shalt  }
0x78: {  	_ =	shalt  }
0x79: {  	_ =	shalt  }
0x7a: {  	_ =	shalt  }
0x7b: {  	_ =	shalt  }
0x7c: {  	_ =	shalt  }
0x7d: {  	_ =	shalt  }
0x7e: {  	_ =	shalt  }
0x7f: {  	_ =	shalt  }
0x80: {  	_ =	shalt  }
0x81: {  	_ =	shalt  }
0x82: {  	_ =	shalt  }
0x83: {  	_ =	shalt  }
0x84: {  	_ =	shalt  }
0x85: {  	_ =	shalt  }
0x86: {  	_ =	shalt  }
0x87: {  	_ =	shalt  }
.Lfunc_end0:
.L_simem_size_0:
called_computation_lowered:
.L_overlay_start_0:
0x88: {  	s2 =	sld [smem:$0x3FD9]  }
0x89: {  	s3 =	sld [smem:$0x3FFE];
	_ =	sdelay $0x1  }
0x8a: {  	s1 =	srdreg.scid  }
0x8b: {  	s0 =	sand.u32 $0x1, s1  }
0x8c: {  	s14 =	sshll.u32 s0, $0xA;
	s2 =	sadd.s32 s3, s2  }
0x8d: {  	s2 =	sadd.s32 s2, s14  }
0x8e: {  	[smem:$0x3FC5] =	sst s2  }
0x8f: {  	_ = 	snop  }
0x90: {  	s2 =	sld [smem:$0x3FD0];
	_ =	sdelay $0x2  }
0x91: {  	s15 =	simm.s32 $0xB;
	s4 =	simm.s32 $0x10  }
0x92: {  	[smem:s4], [sflag:s15] =	dma.local [hbm:s2], $0x1  }
0x93: {  	_ =	swait.eq [sflag:s15], $0x1  }
0x94: {  	[sflag:s15] =	ssyncset.done $0x0  }
0x95: {  	s16 =	sld [smem:$0x12];
	[sflag:s15] =	ssyncadd.s32 $0xFFFFFFFF  }
0x96: {  	s17 =	sld [smem:$0x13];
	(tm) =	ssettm $0x1  }
0x97: {  	s18 =	sld [smem:$0x3FFB];
	_ =	sdelay $0x3  }
0x98: {  	_ =	strace s18  }
0x99: {  	s4 =	sld [smem:$0x3FFC];
	_ =	sdelay $0x3  }
0x9a: {  	_ =	strace s4  }
0x9b: {  	s4 =	sld [smem:$0x3FFD];
	_ =	sdelay $0x3  }
0x9c: {  	_ =	strace s4  }
0x9d: {  	_ =	strace $0x8FFFFFFF  }
0x9e: {  	s19 =	sld [smem:$0x3FDB];
	_ =	sdelay $0x1  }
0x9f: {  	s5 =	simm.s32 $_scs_section_size  }
0xa0: {  	s6 =	simm.s32 $_size__tile_overlayer_lowered;
	s7 =	simm.s32 $_tile_overlayer_lowered  }
0xa1: {  	s22 =	simm.s32 $0x1BFF;
	s21 =	sshll.u32 s7, $0x1;
	s4 =	sadd.s32 s5, s19  }
0xa2: {  	s8 =	simm.s32 $0x0;
	s20 =	sshll.u32 s6, $0x1;
	s6 =	sadd.s32 s21, s4  }
0xa3: {  	[timem:s8], [sflag:s22] =	dma.local [hbm:s6], s20  }
0xa4: {  	_ =	swait.ge [sflag:s22], s20  }
0xa5: {  	s5 =	ssub.s32 $0x0, s20;
	[sflag:s22] =	ssyncset.done $0x0  }
0xa6: {  	[sflag:s22] =	ssyncadd.s32 s5;
	_ =	sdelay $0x1  }
0xa7: {  	s23 =	simm.s32 $0x1B8B  }
0xa8: {  	_ =	swait.ge [sflag:s23], $0x1  }
0xa9: {  	[sflag:s23] =	ssyncset.done $0x0  }
0xaa: {  	s25 =	simm.s32 $0x1B8E;
	s24 =	sld [smem:$0x3FFE];
	[sflag:s23] =	ssyncadd.s32 $0xFFFFFFFF  }
0xab: {  	s26 =	simm.s32 $execute0_lowered;
	[smem:$0x3FD2] =	sst s25  }
0xac: {  	s6 =	sshll.u32 s26, $0x1;
	_ =	strace $0x80000046;
	[dreg:$0x1] =	wrdreg $0xFFFFFFFF  }
0xad: {  	s28 =	simm.s32 $_size_execute0_lowered;
	s4 =	sadd.s32 s4, s6;
	[dreg:$0x0] =	wrdreg $0x0  }
0xae: {  	s6 =	sshll.u32 s28, $0x1;
	[dreg:$0x2] =	wrdreg s4  }
0xaf: {  	[dreg:$0x3] =	wrdreg s6  }
0xb0: {  	[dreg:$0x4] =	wrdreg $0xC0  }
0xb1: {  	_ =	task [dreg:s8], $0x5FFFF  }
0xb2: {  	[dreg:$0x1] =	wrdreg $0xFFFFFFFF  }
0xb3: {  	[dreg:$0x0] =	wrdreg $0x60  }
0xb4: {  	[dreg:$0x2] =	wrdreg s24  }
0xb5: {  	[dreg:$0x3] =	wrdreg s16  }
0xb6: {  	[dreg:$0x4] =	wrdreg s17  }
0xb7: {  	[dreg:$0x5] =	wrdreg $0x9  }
0xb8: {  	_ =	task.clear_ibuf [dreg:s8], $0x6FFFF;
	_ =	strace $0x90000046  }
0xb9: {  	s29 =	simm.s32 $0x9;
	_ =	strace $0x80000048  }
0xba: {  	_ =	swait.ge [sflag:s29], $0x1  }
0xbb: {  	[sflag:s29] =	ssyncadd.s32 $0xFFFFFFFF  }
0xbc: {  	_ =	strace $0x90000048  }
0xbd: {  	_ =	sfence  }
0xbe: {  	s30 =	sld [smem:$0x0];
	_ =	sdelay $0x2  }
0xbf: {  	s31 =	sshll.u32 s1, $0xD;
	s1 =	sshrl.u32 s1, $0x2  }
0xc0: {  	s3 =	sand.u32 $0x4000, s31;
	s1 =	sadd.s32 s1, s30  }
0xc1: {  	s0 =	sor.u32 s3, s0;
	s1 =	sshll.u32 s1, $0x11  }
0xc2: {  	s0 =	sor.u32 s1, s0  }
0xc3: {  	s0 =	sadd.s32 $0x8F2B, s0  }
0xc4: {  	[sflag:s0] =	ssyncadd.remote.s32 $0x1  }
0xc5: {  	_ =	sfence.sel $0xFFFF  }
0xc6: {  	[dreg:$0x0] =	wrdreg $0xFFFFFFFF;
	(pc) =	sbr.abs _section_cstart, $3  }
0xc7: {  	[dreg:$0x1] =	wrdreg $0xFFFFFFFF  }
0xc8: {  	_ =	task.clear_ibuf [dreg:s8], $0x2FFFF;
	_ =	strace $0x9FFFFFFF  }
0xc9: {  	(tm) =	ssettm $0x7FFFFFFF  }
tec
execute0_lowered:
.L_overlay_start_1:
0x0: {  	(tag) =	ssettag $0x1  }
0x1: {  	s5 =	rddreg [dreg:$0x0]  }
0x2: {  	s1 =	srdreg.scid;
	s2 =	rddreg [dreg:$0x1]  }
0x3: {  	s0 =	stileid.u32;
	s3 =	rddreg [dreg:$0x2]  }
0x4: {  	s9 =	simm.s32 $0x1;
	s10 =	simm.s32 $0x3;
	s1 =	sshll.u32 s1, $0x6  }
0x5: {  	s13 =	simm.s32 $0x0;
	s4 =	sshll.u32 s0, $0x7;
	s6 =	sand.u32 $0x40, s1  }
0x6: {  	s12 =	simm.s32 $0x0;
	s5 =	sadd.s32 $0x1400, s5;
	s4 =	sor.u32 s4, s6  }
0x7: {  	s1 =	rddreg [dreg:$0x3];
	_ =	strace $0x80000047;
	s8 =	ssub.s32 $0x1000, s4  }
.Ltmp0:
0x8: {  	s6 =	simm.s32 $0x1;
	s7 =	sand.u32 $0x7C0, s8;
	(pc) =	sbr.rel .LBB2_1-.Ltmp0, $4  }
0x9: {  	[sflag:s6] =	ssyncpa.u1 $0x0;
	s11 =	smov.u32 s4;
	p0 =	sne.s32 s7, $0x0  }
0xa: {  	s8 =	sshrl.u32 s8, $0xB;
	s7 =	simm.s32 $0x2;
	s9 =	simm.s32 @!p0 $0x0  }
0xb: {  	[sflag:s7] =	ssyncpa.u1 $0x0;
	p0 =	por $0x0, $0x0;
	s8 =	sadd.s32 s9, s8  }
0xc: {  	vm0 =	vmmov $0xffff;
	[sflag:s10] =	ssyncpa.u1 $0x0;
	s10 =	simm.s32 $0x0;
	s9 =	sadd.s32 $0x1, s8  }
.LBB2_4:
0xd: {  	v3 =	vand.u32 $0x7, v0;
	v62 =	vshrl.u32 v0, $0x3  }
0xe: {  	v3 =	vsel vm1, $0xFFFFFFFF, v3;
	v0 =	vand.u32 $0xFFF, v62  }
0xf: {  	v0 =	vsel vm1, $0xFFFFFFFF, v0;
	v4 =	vshrl.u32 v3, $0x3  }
0x10: {  	v4 =	vmul.u32 $0x5000, v4;
	v5 =	vshll.u32 v0, $0x3  }
0x11: {  	v3 =	vshll.u32 v3, $0x7;
	v5 =	vand.u32 $0xFFFFFC00, v5  }
0x12: {  	v1 =	vor.u32 v1, v2;
	v3 =	vand.u32 $0x380, v3;
	v63 =	vadd.s32 v4, v5  }
0x13: {  	v0 =	vand.u32 $0x7F, v0;
	v2 =	vor.u32 v3, v63  }
0x14: {  	v0 =	vor.u32 v0, v2;
	_ =	sdelay $0x1  }
0x15: {  	(ifvalue) =	ssetifvalue $0x7FFFFFFF;
	s15 =	sadd.s32 $0x10, s15  }
0x16: {  	[tilespmem:s15], [sflag:$0x1] =	stream.indirect_vreg.gather [hbm4b:s5+s10], $0x1, v1, vm0, $0x4038;
	[tilespmem:$0x100] =	vst v63  }
0x17: {  	(ifvalue) =	ssetifvalue $0x7FFFFFFF;
	s15 =	sadd.s32 $0x10, s15  }
0x18: {  	[tilespmem:s15], [sflag:$0x1] =	stream.indirect_vreg.gather [hbm4b:s5+s10], $0x1, v0, vm0, $0x4038;
	[tilespmem:$0x100] =	vst v63  }
0x19: {  	_ =	swait.ge [sflag:s6], $0x40  }
0x1a: {  	s30 =	sshrl.u32 s13, $0x3;
	[sflag:s6] =	ssyncset.done $0x0  }
0x1b: {  	s31 =	sand.u32 $0x7, s13;
	s15 =	sadd.s32 s3, s30;
	[sflag:s6] =	ssyncadd.s32 $0xFFFFFFC0  }
0x1c: {  	[hbm4b:s15+s31] =	stream.linear.scatter [tilespmem:s14], [sflag:$0x3], $0x40, $0x38;
	[tilespmem:$0x100] =	vst v63  }
.LBB2_5:
0x1d: {  	s15 =	sadd.s32 $0x800, s11  }
0x1e: {  	p2 =	sgt.s32 s15, $0xFFF  }
0x1f: {  	s15 =	smov.u32 @p2 s4;
	p2 =	sne.s32 s12, s9  }
.Ltmp1:
0x20: {  	p1 =	slt.u32 s12, $0x2;
	(pc) =	sbr.rel @!p2 .LBB2_6-.Ltmp1, $4  }
0x21: {  	s14 =	simm.s32 @!p1 $0x3  }
0x22: {  	s16 =	sadd.s32 $0x1, s12;
	_ =	swait.ge @!p1 [sflag:s14], $0x40  }
0x23: {  	s13 =	smov.u32 s11;
	p0 =	por !p0, !p0;
	[sflag:s14] =	ssyncset.done @!p1 $0x0  }
0x24: {  	s12 =	smov.u32 s16;
	s11 =	smov.u32 s15;
	[sflag:s14] =	ssyncadd.s32 @!p1 $0xFFFFFFC0  }
.LBB2_1:
0x25: {  	p1 =	sge.u32 s12, s8  }
0x26: {  	s14 =	sxor.u32 @!p1 $0xFFFFFFFF, s12  }
0x27: {  	s31 =	sadd.s32 $0xFFFFFFFF, s12;
	s15 =	sshrl.u32 @!p1 s11, $0x3;
	s14 =	sshll.u32 @!p1 s14, $0x6  }
0x28: {  	s16 =	sand.u32 @!p1 $0x7, s11;
	s15 =	sadd.s32 @!p1 s2, s15;
	s14 =	sand.u32 @!p1 $0x40, s14  }
0x29: {  	[tilespmem:s14], [sflag:$0x2] =	stream.linear.gather @!p1 [hbm4b:s15+s16], $0x40, $0x38;
	[tilespmem:$0x100] =	vst v63  }
0x2a: {  	p1 =	sge.u32 s31, s8  }
.Ltmp2:
0x2b: {  	_ = 	snop;
	(pc) =	sbr.rel @p1 .LBB2_5-.Ltmp2, $1  }
0x2c: {  	_ =	sdelay $0x3  }
0x2d: {  	s14 =	simm.s32 $0x1  }
0x2e: {  	_ =	swait.ge [sflag:s7], $0x40;
	s14 =	simm.s32 @!p0 $0x0  }
0x2f: {  	[sflag:s7] =	ssyncset.done $0x0;
	s14 =	sshll.u32 s14, $0x6  }
0x30: {  	[sflag:s7] =	ssyncadd.s32 $0xFFFFFFC0;
	(ifvalue) =	ssetifvalue $0x7FFFFFFF;
	v0 =	vld.msk [tilespmem:s14+$0x0 ss:$0x1], $0xffff;
	_ =	sdelay $0x2  }
0x31: {  	s15 =	sadd.s32 $0x10, s14  }
0x32: {  	v3 =	vld.msk [tilespmem:s15+$0x0 ss:$0x1], $0xffff  }
0x33: {  	vm1 =	veq.s32 v0, $0x80000000;
	v1 =	vand.u32 $0x7, v0;
	v0 =	vshrl.u32 v0, $0x3  }
0x34: {  	v1 =	vsel vm1, $0xFFFFFFFF, v1;
	v0 =	vand.u32 $0xFFF, v0  }
0x35: {  	v0 =	vsel vm1, $0xFFFFFFFF, v0;
	v2 =	vshrl.u32 v1, $0x3  }
0x36: {  	v2 =	vmul.u32 $0x5000, v2;
	v4 =	vshll.u32 v0, $0x3  }
0x37: {  	v1 =	vshll.u32 v1, $0x7;
	vm1 =	veq.s32 v3, $0x80000000;
	v4 =	vand.u32 $0xFFFFFC00, v4  }
0x38: {  	v1 =	vand.u32 $0x380, v1;
	v0 =	vand.u32 $0x7F, v0;
	v2 =	vadd.s32 v2, v4  }
0x39: {  	s17 =	sadd.s32 $0x10, s15;
	v1 =	vor.u32 v1, v2;
	v2 =	vand.u32 $0x7, v3;
	v3 =	vshrl.u32 v3, $0x3  }
0x3a: {  	v1 =	vor.u32 v0, v1;
	v0 =	vld.msk [tilespmem:s17+$0x0 ss:$0x1], $0xffff;
	v2 =	vsel vm1, $0xFFFFFFFF, v2;
	v3 =	vand.u32 $0xFFF, v3  }
0x3b: {  	v3 =	vsel vm1, $0xFFFFFFFF, v3;
	v63 =	vshrl.u32 v2, $0x3  }
0x3c: {  	s31 =	sshll.u32 s12, $0x6;
	v4 =	vmul.u32 $0x5000, v63;
	v5 =	vshll.u32 v3, $0x3  }
0x3d: {  	s16 =	simm.s32 $0x20;
	s15 =	sor.u32 $0x80, s14;
	s14 =	sand.u32 $0x40, s31;
	v2 =	vshll.u32 v2, $0x7;
	v5 =	vand.u32 $0xFFFFFC00, v5  }
0x3e: {  	s14 =	sor.u32 $0x80, s14;
	(ifvalue) =	ssetifvalue $0x7FFFFFFF;
	s17 =	sadd.s32 $0x10, s17;
	v2 =	vand.u32 $0x380, v2;
	v4 =	vadd.s32 v4, v5  }
0x3f: {  	[tilespmem:s15], [sflag:$0x1] =	stream.indirect_vreg.gather [hbm4b:s5+s10], $0x1, v1, vm0, $0x4038;
	vm1 =	veq.s32 v0, $0x80000000;
	v1 =	vand.u32 $0x7F, v3;
	v2 =	vor.u32 v2, v4;
	[tilespmem:$0x100] =	vst v63  }
.LBB2_3:
0x40: {  	v3 =	vand.u32 $0x7, v0;
	v4 =	vshrl.u32 v0, $0x3;
	v0 =	vld.msk [tilespmem:s17+$0x0 ss:$0x1], $0xffff;
	v1 =	vor.u32 v1, v2;
	s16 =	sadd.s32 $0x10, s16  }
0x41: {  	v2 =	vsel vm1, $0xFFFFFFFF, v3;
	v3 =	vand.u32 $0xFFF, v4;
	p1 =	slt.u32 s16, $0x30  }
.Ltmp3:
0x42: {  	v3 =	vsel vm1, $0xFFFFFFFF, v3;
	v4 =	vshrl.u32 v2, $0x3;
	(pc) =	sbr.rel @p1 .LBB2_3-.Ltmp3, $4  }
0x43: {  	v4 =	vmul.u32 $0x5000, v4;
	v5 =	vshll.u32 v3, $0x3  }
0x44: {  	s15 =	sadd.s32 $0x10, s15;
	v2 =	vshll.u32 v2, $0x7;
	v5 =	vand.u32 $0xFFFFFC00, v5;
	(ifvalue) =	ssetifvalue $0x7FFFFFFF  }
0x45: {  	v2 =	vand.u32 $0x380, v2;
	v4 =	vadd.s32 v4, v5;
	[tilespmem:s15], [sflag:$0x1] =	stream.indirect_vreg.gather [hbm4b:s5+s10], $0x1, v1, vm0, $0x4038;
	[tilespmem:$0x100] =	vst v63  }
0x46: {  	s17 =	sadd.s32 $0x10, s17;
	vm1 =	veq.s32 v0, $0x80000000;
	v1 =	vand.u32 $0x7F, v3;
	v2 =	vor.u32 v2, v4  }
.Ltmp4:
0x47: {  	_ = 	snop;
	(pc) =	sbr.rel .LBB2_4-.Ltmp4, $1  }
0x48: {  	_ =	sdelay $0x3  }
.LBB2_6:
0x49: {  	_ =	sfence.sel $0x180000  }
0x4a: {  	s2 =	simm.s32 $0x2;
	[bflag:$0x0] =	sbarrier.arrive $0xFFFF  }
0x4b: {  	s30 =	simm.s32 $0x3;
	[sflag:s2] =	ssyncpa.u1 $0x1  }
0x4c: {  	s31 =	simm.s32 $0x1;
	[sflag:s30] =	ssyncpa.u1 $0x1  }
0x4d: {  	[sflag:s31] =	ssyncpa.u1 $0x1  }
0x4e: {  	p0 =	sne.s32 s0, $0x0;
	_ =	strace $0x90000047  }
0x4f: {  	s0 =	sadd.s32 @!p0 $0x100000, s1;
	[bflag:$0x2] =	sbarrier.arrive $0xFFFF  }
0x50: {  	[sflag:s0] =	ssyncadd.tile.s32 @!p0 $0x1;
	_ =	shalt  }
.Lfunc_end2:
_tile_overlayer_lowered:
.L_overlay_start_2:
0x51: {  	(tag) =	ssettag $0x2  }
0x52: {  	s0 =	rddreg [dreg:$0x0];
	s2 =	stileid.u32  }
0x53: {  	s1 =	rddreg [dreg:$0x1];
	p0 =	sne.s32 s2, $0x0  }
0x54: {  	s3 =	rddreg [dreg:$0x2];
	[bflag:$0x3] =	sbarrier.arrive $0xFFFF;
	s2 =	simm.s32 @!p0 $0x1C01  }
0x55: {  	[timem:s3], [sflag:s2] =	dma.local @!p0 [hbm:s0], s1  }
0x56: {  	s0 =	simm.s32 @!p0 $0x1  }
0x57: {  	_ =	swait.ge @!p0 [sflag:s0], s1  }
0x58: {  	s1 =	ssub.s32 @!p0 $0x0, s1;
	[sflag:s0] =	ssyncset.done @!p0 $0x0  }
0x59: {  	[sflag:s0] =	ssyncadd.s32 @!p0 s1  }
0x5a: {  	[bflag:$0x3] =	sbarrier.arrive $0xFFFF  }
0x5b: {  	_ =	shalt  }

</sc_bundles>
